<compile_context>
chip_gen: v7x
topology: tpu7x:2x2x1
jax: 0.10.2.dev20260603
libtpu: 0.0.44.dev20260713+nightly
codegen_flags: <defaults>
</compile_context>

<pallas_src>
import functools
import jax
import jax.numpy as jnp
from jax import lax
from jax.experimental import pallas as pl
from jax.experimental.pallas import tpu as pltpu
from jax.experimental.pallas import tpu_sc as plsc

T = 512
HA, WA = 181, 360
HB, WB = 91, 180
L = 16
LANES = 128


def _interp_idx_vec(t_vmem, s_vec):
    n = jnp.zeros((L,), jnp.int32)
    for j in range(T // L):
        tc = t_vmem[pl.ds(j * L, L)]
        n = n + plsc.all_reduce_population_count(tc <= s_vec)
    i = jnp.clip(n, 1, T - 1)
    t0 = plsc.load_gather(t_vmem, [i - 1])
    t1 = plsc.load_gather(t_vmem, [i])
    f = (i - 1).astype(jnp.float32) + (s_vec - t0) / (t1 - t0)
    f = jnp.where(n == 0, jnp.float32(0.0), f)
    f = jnp.where(n == T, jnp.float32(T - 1), f)
    r = f.astype(jnp.int32)
    d = f - r.astype(jnp.float32)
    half = jnp.float32(0.5)
    up = (d > half) | ((d == half) & ((r % 2) == 1))
    return r + jnp.where(up, 1, 0).astype(jnp.int32)


_mesh = plsc.VectorSubcoreMesh(
    core_axis_name="c", subcore_axis_name="s", num_cores=1, num_subcores=1
)


@functools.partial(
    pl.kernel,
    mesh=_mesh,
    compiler_params=pltpu.CompilerParams(needs_layout_passes=False),
    out_type=jax.ShapeDtypeStruct((2, L), jnp.int32),
    scratch_types=[
        pltpu.VMEM((T,), jnp.float32),
        pltpu.VMEM((T,), jnp.float32),
        pltpu.VMEM((L,), jnp.float32),
        pltpu.VMEM((L,), jnp.int32),
        pltpu.VMEM((L,), jnp.int32),
        pltpu.SemaphoreType.DMA,
    ],
)
def _interp_indices(ta, tb, sv, oi, ta_vmem, tb_vmem, s_vmem, ia_vmem,
                    ib_vmem, sem):
    pltpu.async_copy(sv, s_vmem.at[pl.ds(0, 1)], sem).wait()
    s_vec = plsc.load_gather(s_vmem, [jnp.zeros((L,), jnp.int32)])
    pltpu.sync_copy(ta, ta_vmem)
    pltpu.sync_copy(tb, tb_vmem)
    ia_vmem[...] = _interp_idx_vec(ta_vmem, s_vec)
    ib_vmem[...] = _interp_idx_vec(tb_vmem, s_vec)
    pltpu.sync_copy(ia_vmem, oi.at[0])
    pltpu.sync_copy(ib_vmem, oi.at[1])


def _extract(idx_ref, da_ref, db_ref, oa_ref, ob_ref, buf_a, buf_b,
             sem_a, sem_b):
    ia = idx_ref[0, 0]
    ib = idx_ref[1, 0]
    for k in range(T // LANES):
        @pl.when(ia // LANES == k)
        def _():
            pltpu.make_async_copy(
                da_ref.at[:, :, pl.ds(k * LANES, LANES)], buf_a, sem_a
            ).start()

        @pl.when(ib // LANES == k)
        def _():
            pltpu.make_async_copy(
                db_ref.at[:, :, pl.ds(k * LANES, LANES)], buf_b, sem_b
            ).start()

    lane_a = ia % LANES
    lane_b = ib % LANES
    pltpu.make_async_copy(da_ref.at[:, :, pl.ds(0, LANES)], buf_a,
                          sem_a).wait()
    xa = buf_a[...].reshape(HA * WA, LANES)
    oh_a = (lax.broadcasted_iota(jnp.int32, (LANES,), 0) == lane_a
            ).astype(jnp.float32)
    ra = lax.dot_general(xa, oh_a, (((1,), (0,)), ((), ())),
                         preferred_element_type=jnp.float32)
    oa_ref[...] = ra.reshape(HA, WA)

    pltpu.make_async_copy(db_ref.at[:, :, pl.ds(0, LANES)], buf_b,
                          sem_b).wait()
    xb = buf_b[...].reshape(HB * WB, LANES)
    oh_b = (lax.broadcasted_iota(jnp.int32, (LANES,), 0) == lane_b
            ).astype(jnp.float32)
    rb = lax.dot_general(xb, oh_b, (((1,), (0,)), ((), ())),
                         preferred_element_type=jnp.float32)
    ob_ref[...] = rb.reshape(HB, WB)


_extract_call = pl.pallas_call(
    _extract,
    out_shape=[
        jax.ShapeDtypeStruct((HA, WA), jnp.float32),
        jax.ShapeDtypeStruct((HB, WB), jnp.float32),
    ],
    in_specs=[
        pl.BlockSpec(memory_space=pltpu.SMEM),
        pl.BlockSpec(memory_space=pl.ANY),
        pl.BlockSpec(memory_space=pl.ANY),
    ],
    out_specs=[
        pl.BlockSpec(memory_space=pltpu.VMEM),
        pl.BlockSpec(memory_space=pltpu.VMEM),
    ],
    scratch_shapes=[
        pltpu.VMEM((HA, WA, LANES), jnp.float32),
        pltpu.VMEM((HB, WB, LANES), jnp.float32),
        pltpu.SemaphoreType.DMA,
        pltpu.SemaphoreType.DMA,
    ],
    compiler_params=pltpu.CompilerParams(vmem_limit_bytes=50 * 1024 * 1024),
)


def kernel(times_a, data_a, times_b, data_b, sim_time):
    sv = jnp.asarray(sim_time, jnp.float32).reshape(1)
    idx = _interp_indices(times_a, times_b, sv)
    oa, ob = _extract_call(
        idx, data_a.transpose(1, 2, 0), data_b.transpose(1, 2, 0)
    )
    return (oa, ob)

# --- scband reference (transcript-rebuilt; emitter-appended) ---
"""Pipeline reference for scband-dynamic-input-slice-78640851190487 (READ-ONLY COPY).

The authoritative reference and input builder live on the scoring server;
editing this copy changes nothing except your own understanding.
"""

import jax, jax.numpy as jnp
import numpy as np

T = 512
HA, WA = 181, 360
HB, WB = 91, 180


def setup_inputs(seed: int = 0) -> dict:
    key = jax.random.key(seed)
    k1, k2 = jax.random.split(key, 2)
    # Monotonically increasing timestamps (hourly archive; var_b offset by 30 min)
    times_a = jnp.arange(T, dtype=jnp.float32) * 3600.0
    times_b = jnp.arange(T, dtype=jnp.float32) * 3600.0 + 1800.0
    data_a = jax.random.normal(k1, (T, HA, WA), dtype=jnp.float32)
    data_b = jax.random.normal(k2, (T, HB, WB), dtype=jnp.float32)
    sim_time = jnp.float32(3600.0 * 187.3)  # lands between archived slices
    return {
        "times_a": times_a,
        "data_a": data_a,
        "times_b": times_b,
        "data_b": data_b,
        "sim_time": sim_time,
    }


def _slice_at_time(sim_time, time, data, time_axis=0):
    # Faithful translation of DynamicInputSlice.__call__ for one key.
    time_indices = jnp.arange(time.size)
    approx_index = jnp.interp(sim_time, time, time_indices)
    index = jnp.round(approx_index).astype('int32')
    return jax.lax.dynamic_index_in_dim(data, index=index, axis=time_axis, keepdims=False)


def reference(times_a, data_a, times_b, data_b, sim_time):
    out_a = _slice_at_time(sim_time, times_a, data_a, time_axis=0)
    out_b = _slice_at_time(sim_time, times_b, data_b, time_axis=0)
    return (out_a, out_b)

if __name__ == "__main__":
    import jax
    _d = setup_inputs()
    print(jax.jit(kernel)(*tuple(_d.values())))

</pallas_src>

<mosaic_0001>
#map = affine_map<(d0, d1) -> (0)>
#map1 = affine_map<(d0, d1) -> (0, 0)>
module attributes {stable_mosaic.version = 14 : i64} {
  func.func @_interp_indices(%arg0: i32, %arg1: i32, %arg2: memref<512xf32, #tpu.memory_space<hbm>>, %arg3: memref<512xf32, #tpu.memory_space<hbm>>, %arg4: memref<1xf32, #tpu.memory_space<hbm>>, %arg5: memref<2x16xi32, #tpu.memory_space<hbm>>, %arg6: memref<512xf32, #tpu.memory_space<vmem>>, %arg7: memref<512xf32, #tpu.memory_space<vmem>>, %arg8: memref<16xf32, #tpu.memory_space<vmem>>, %arg9: memref<16xi32, #tpu.memory_space<vmem>>, %arg10: memref<16xi32, #tpu.memory_space<vmem>>, %arg11: memref<!tpu.dma_semaphore, #tpu.memory_space<semaphore_mem>>) attributes {dimension_semantics = [#tpu.dimension_semantics<core_parallel>, #tpu.dimension_semantics<subcore_parallel>], iteration_bounds = array<i64: 1, 1>, scalar_prefetch = 0 : i64, scratch_operands = 6 : i64, tpu.core_type = #tpu.core_type<sc_vector_subcore>, window_params = [{transform_indices = #map}, {transform_indices = #map}, {transform_indices = #map}, {transform_indices = #map1}]} {
    %dma_start3A = arith.constant 0 : i32
    %dma_start3A_0 = tpu.memref_slice %arg8[%dma_start3A] : memref<16xf32, #tpu.memory_space<vmem>> -> memref<1xf32, #tpu.memory_space<vmem>>
    %dma_start3A_1 = arith.constant 0 : i32
    %dma_start3A_2 = tpu.memref_slice %arg8[%dma_start3A_1] : memref<16xf32, #tpu.memory_space<vmem>> -> memref<1xf32, #tpu.memory_space<vmem>>
    tpu.enqueue_dma source(%arg4 : memref<1xf32, #tpu.memory_space<hbm>>) target(%dma_start3A_2 : memref<1xf32, #tpu.memory_space<vmem>>) target_semaphore(%arg11 : memref<!tpu.dma_semaphore, #tpu.memory_space<semaphore_mem>>)
    %dma_wait3A = arith.constant 0 : i32
    %dma_wait3A_3 = tpu.memref_slice %arg8[%dma_wait3A] : memref<16xf32, #tpu.memory_space<vmem>> -> memref<1xf32, #tpu.memory_space<vmem>>
    %dma_wait3A_4 = arith.constant 0 : i32
    %dma_wait3A_5 = tpu.memref_slice %arg8[%dma_wait3A_4] : memref<16xf32, #tpu.memory_space<vmem>> -> memref<1xf32, #tpu.memory_space<vmem>>
    tpu.wait_dma2 semaphore(%arg11 : memref<!tpu.dma_semaphore, #tpu.memory_space<semaphore_mem>>) src(%arg4 : memref<1xf32, #tpu.memory_space<hbm>>) dst(%dma_wait3A_5 : memref<1xf32, #tpu.memory_space<vmem>>)
    %broadcast_in_dim3A = arith.constant 0 : i32
    %broadcast_in_dim3A_6 = vector.broadcast %broadcast_in_dim3A : i32 to vector<16xi32>
    %gather3A = tpu.vector_load_idx %arg8[%broadcast_in_dim3A_6] : memref<16xf32, #tpu.memory_space<vmem>>[vector<16xi32>], vector<16xf32>,
    "tpu.region"() ({
      %run_scoped3A_463 = tpu.sem_alloc : memref<!tpu.dma_semaphore, #tpu.memory_space<semaphore_mem>>
      tpu.enqueue_dma source(%arg2 : memref<512xf32, #tpu.memory_space<hbm>>) target(%arg6 : memref<512xf32, #tpu.memory_space<vmem>>) target_semaphore(%run_scoped3A_463 : memref<!tpu.dma_semaphore, #tpu.memory_space<semaphore_mem>>)
      tpu.wait_dma2 semaphore(%run_scoped3A_463 : memref<!tpu.dma_semaphore, #tpu.memory_space<semaphore_mem>>) src(%arg2 : memref<512xf32, #tpu.memory_space<hbm>>) dst(%arg6 : memref<512xf32, #tpu.memory_space<vmem>>)
      tpu.yield
    }) : () -> ()
    "tpu.region"() ({
      %run_scoped3A_463 = tpu.sem_alloc : memref<!tpu.dma_semaphore, #tpu.memory_space<semaphore_mem>>
      tpu.enqueue_dma source(%arg3 : memref<512xf32, #tpu.memory_space<hbm>>) target(%arg7 : memref<512xf32, #tpu.memory_space<vmem>>) target_semaphore(%run_scoped3A_463 : memref<!tpu.dma_semaphore, #tpu.memory_space<semaphore_mem>>)
      tpu.wait_dma2 semaphore(%run_scoped3A_463 : memref<!tpu.dma_semaphore, #tpu.memory_space<semaphore_mem>>) src(%arg3 : memref<512xf32, #tpu.memory_space<hbm>>) dst(%arg7 : memref<512xf32, #tpu.memory_space<vmem>>)
      tpu.yield
    }) : () -> ()
    %broadcast_in_dim3A_7 = arith.constant 0 : i32
    %broadcast_in_dim3A_8 = vector.broadcast %broadcast_in_dim3A_7 : i32 to vector<16xi32>
    %get3A = arith.constant 0 : index
    %get3A_9 = tpu.vector_load %arg6[%get3A] {strides = array<i32>} : memref<512xf32, #tpu.memory_space<vmem>>, vector<16xf32>,
    %le3A = arith.cmpf ole, %get3A_9, %gather3A : vector<16xf32>
    %all_reduce_population_count3A = tpu.all_reduce %le3A {dim = 0 : i64, kind = #tpu.reduction_kind<sum>} : vector<16xi1> -> vector<16xi32>
    %add3A = arith.addi %broadcast_in_dim3A_8, %all_reduce_population_count3A : vector<16xi32>
    %get3A_10 = arith.constant 16 : index
    %get3A_11 = tpu.vector_load %arg6[%get3A_10] {strides = array<i32>} : memref<512xf32, #tpu.memory_space<vmem>>, vector<16xf32>,
    %le3A_12 = arith.cmpf ole, %get3A_11, %gather3A : vector<16xf32>
    %all_reduce_population_count3A_13 = tpu.all_reduce %le3A_12 {dim = 0 : i64, kind = #tpu.reduction_kind<sum>} : vector<16xi1> -> vector<16xi32>
    %add3A_14 = arith.addi %add3A, %all_reduce_population_count3A_13 : vector<16xi32>
    %get3A_15 = arith.constant 32 : index
    %get3A_16 = tpu.vector_load %arg6[%get3A_15] {strides = array<i32>} : memref<512xf32, #tpu.memory_space<vmem>>, vector<16xf32>,
    %le3A_17 = arith.cmpf ole, %get3A_16, %gather3A : vector<16xf32>
    %all_reduce_population_count3A_18 = tpu.all_reduce %le3A_17 {dim = 0 : i64, kind = #tpu.reduction_kind<sum>} : vector<16xi1> -> vector<16xi32>
    %add3A_19 = arith.addi %add3A_14, %all_reduce_population_count3A_18 : vector<16xi32>
    %get3A_20 = arith.constant 48 : index
    %get3A_21 = tpu.vector_load %arg6[%get3A_20] {strides = array<i32>} : memref<512xf32, #tpu.memory_space<vmem>>, vector<16xf32>,
    %le3A_22 = arith.cmpf ole, %get3A_21, %gather3A : vector<16xf32>
    %all_reduce_population_count3A_23 = tpu.all_reduce %le3A_22 {dim = 0 : i64, kind = #tpu.reduction_kind<sum>} : vector<16xi1> -> vector<16xi32>
    %add3A_24 = arith.addi %add3A_19, %all_reduce_population_count3A_23 : vector<16xi32>
    %get3A_25 = arith.constant 64 : index
    %get3A_26 = tpu.vector_load %arg6[%get3A_25] {strides = array<i32>} : memref<512xf32, #tpu.memory_space<vmem>>, vector<16xf32>,
    %le3A_27 = arith.cmpf ole, %get3A_26, %gather3A : vector<16xf32>
    %all_reduce_population_count3A_28 = tpu.all_reduce %le3A_27 {dim = 0 : i64, kind = #tpu.reduction_kind<sum>} : vector<16xi1> -> vector<16xi32>
    %add3A_29 = arith.addi %add3A_24, %all_reduce_population_count3A_28 : vector<16xi32>
    %get3A_30 = arith.constant 80 : index
    %get3A_31 = tpu.vector_load %arg6[%get3A_30] {strides = array<i32>} : memref<512xf32, #tpu.memory_space<vmem>>, vector<16xf32>,
    %le3A_32 = arith.cmpf ole, %get3A_31, %gather3A : vector<16xf32>
    %all_reduce_population_count3A_33 = tpu.all_reduce %le3A_32 {dim = 0 : i64, kind = #tpu.reduction_kind<sum>} : vector<16xi1> -> vector<16xi32>
    %add3A_34 = arith.addi %add3A_29, %all_reduce_population_count3A_33 : vector<16xi32>
    %get3A_35 = arith.constant 96 : index
    %get3A_36 = tpu.vector_load %arg6[%get3A_35] {strides = array<i32>} : memref<512xf32, #tpu.memory_space<vmem>>, vector<16xf32>,
    %le3A_37 = arith.cmpf ole, %get3A_36, %gather3A : vector<16xf32>
    %all_reduce_population_count3A_38 = tpu.all_reduce %le3A_37 {dim = 0 : i64, kind = #tpu.reduction_kind<sum>} : vector<16xi1> -> vector<16xi32>
    %add3A_39 = arith.addi %add3A_34, %all_reduce_population_count3A_38 : vector<16xi32>
    %get3A_40 = arith.constant 112 : index
    %get3A_41 = tpu.vector_load %arg6[%get3A_40] {strides = array<i32>} : memref<512xf32, #tpu.memory_space<vmem>>, vector<16xf32>,
    %le3A_42 = arith.cmpf ole, %get3A_41, %gather3A : vector<16xf32>
    %all_reduce_population_count3A_43 = tpu.all_reduce %le3A_42 {dim = 0 : i64, kind = #tpu.reduction_kind<sum>} : vector<16xi1> -> vector<16xi32>
    %add3A_44 = arith.addi %add3A_39, %all_reduce_population_count3A_43 : vector<16xi32>
    %get3A_45 = arith.constant 128 : index
    %get3A_46 = tpu.vector_load %arg6[%get3A_45] {strides = array<i32>} : memref<512xf32, #tpu.memory_space<vmem>>, vector<16xf32>,
    %le3A_47 = arith.cmpf ole, %get3A_46, %gather3A : vector<16xf32>
    %all_reduce_population_count3A_48 = tpu.all_reduce %le3A_47 {dim = 0 : i64, kind = #tpu.reduction_kind<sum>} : vector<16xi1> -> vector<16xi32>
    %add3A_49 = arith.addi %add3A_44, %all_reduce_population_count3A_48 : vector<16xi32>
    %get3A_50 = arith.constant 144 : index
    %get3A_51 = tpu.vector_load %arg6[%get3A_50] {strides = array<i32>} : memref<512xf32, #tpu.memory_space<vmem>>, vector<16xf32>,
    %le3A_52 = arith.cmpf ole, %get3A_51, %gather3A : vector<16xf32>
    %all_reduce_population_count3A_53 = tpu.all_reduce %le3A_52 {dim = 0 : i64, kind = #tpu.reduction_kind<sum>} : vector<16xi1> -> vector<16xi32>
    %add3A_54 = arith.addi %add3A_49, %all_reduce_population_count3A_53 : vector<16xi32>
    %get3A_55 = arith.constant 160 : index
    %get3A_56 = tpu.vector_load %arg6[%get3A_55] {strides = array<i32>} : memref<512xf32, #tpu.memory_space<vmem>>, vector<16xf32>,
    %le3A_57 = arith.cmpf ole, %get3A_56, %gather3A : vector<16xf32>
    %all_reduce_population_count3A_58 = tpu.all_reduce %le3A_57 {dim = 0 : i64, kind = #tpu.reduction_kind<sum>} : vector<16xi1> -> vector<16xi32>
    %add3A_59 = arith.addi %add3A_54, %all_reduce_population_count3A_58 : vector<16xi32>
    %get3A_60 = arith.constant 176 : index
    %get3A_61 = tpu.vector_load %arg6[%get3A_60] {strides = array<i32>} : memref<512xf32, #tpu.memory_space<vmem>>, vector<16xf32>,
    %le3A_62 = arith.cmpf ole, %get3A_61, %gather3A : vector<16xf32>
    %all_reduce_population_count3A_63 = tpu.all_reduce %le3A_62 {dim = 0 : i64, kind = #tpu.reduction_kind<sum>} : vector<16xi1> -> vector<16xi32>
    %add3A_64 = arith.addi %add3A_59, %all_reduce_population_count3A_63 : vector<16xi32>
    %get3A_65 = arith.constant 192 : index
    %get3A_66 = tpu.vector_load %arg6[%get3A_65] {strides = array<i32>} : memref<512xf32, #tpu.memory_space<vmem>>, vector<16xf32>,
    %le3A_67 = arith.cmpf ole, %get3A_66, %gather3A : vector<16xf32>
    %all_reduce_population_count3A_68 = tpu.all_reduce %le3A_67 {dim = 0 : i64, kind = #tpu.reduction_kind<sum>} : vector<16xi1> -> vector<16xi32>
    %add3A_69 = arith.addi %add3A_64, %all_reduce_population_count3A_68 : vector<16xi32>
    %get3A_70 = arith.constant 208 : index
    %get3A_71 = tpu.vector_load %arg6[%get3A_70] {strides = array<i32>} : memref<512xf32, #tpu.memory_space<vmem>>, vector<16xf32>,
    %le3A_72 = arith.cmpf ole, %get3A_71, %gather3A : vector<16xf32>
    %all_reduce_population_count3A_73 = tpu.all_reduce %le3A_72 {dim = 0 : i64, kind = #tpu.reduction_kind<sum>} : vector<16xi1> -> vector<16xi32>
    %add3A_74 = arith.addi %add3A_69, %all_reduce_population_count3A_73 : vector<16xi32>
    %get3A_75 = arith.constant 224 : index
    %get3A_76 = tpu.vector_load %arg6[%get3A_75] {strides = array<i32>} : memref<512xf32, #tpu.memory_space<vmem>>, vector<16xf32>,
    %le3A_77 = arith.cmpf ole, %get3A_76, %gather3A : vector<16xf32>
    %all_reduce_population_count3A_78 = tpu.all_reduce %le3A_77 {dim = 0 : i64, kind = #tpu.reduction_kind<sum>} : vector<16xi1> -> vector<16xi32>
    %add3A_79 = arith.addi %add3A_74, %all_reduce_population_count3A_78 : vector<16xi32>
    %get3A_80 = arith.constant 240 : index
    %get3A_81 = tpu.vector_load %arg6[%get3A_80] {strides = array<i32>} : memref<512xf32, #tpu.memory_space<vmem>>, vector<16xf32>,
    %le3A_82 = arith.cmpf ole, %get3A_81, %gather3A : vector<16xf32>
    %all_reduce_population_count3A_83 = tpu.all_reduce %le3A_82 {dim = 0 : i64, kind = #tpu.reduction_kind<sum>} : vector<16xi1> -> vector<16xi32>
    %add3A_84 = arith.addi %add3A_79, %all_reduce_population_count3A_83 : vector<16xi32>
    %get3A_85 = arith.constant 256 : index
    %get3A_86 = tpu.vector_load %arg6[%get3A_85] {strides = array<i32>} : memref<512xf32, #tpu.memory_space<vmem>>, vector<16xf32>,
    %le3A_87 = arith.cmpf ole, %get3A_86, %gather3A : vector<16xf32>
    %all_reduce_population_count3A_88 = tpu.all_reduce %le3A_87 {dim = 0 : i64, kind = #tpu.reduction_kind<sum>} : vector<16xi1> -> vector<16xi32>
    %add3A_89 = arith.addi %add3A_84, %all_reduce_population_count3A_88 : vector<16xi32>
    %get3A_90 = arith.constant 272 : index
    %get3A_91 = tpu.vector_load %arg6[%get3A_90] {strides = array<i32>} : memref<512xf32, #tpu.memory_space<vmem>>, vector<16xf32>,
    %le3A_92 = arith.cmpf ole, %get3A_91, %gather3A : vector<16xf32>
    %all_reduce_population_count3A_93 = tpu.all_reduce %le3A_92 {dim = 0 : i64, kind = #tpu.reduction_kind<sum>} : vector<16xi1> -> vector<16xi32>
    %add3A_94 = arith.addi %add3A_89, %all_reduce_population_count3A_93 : vector<16xi32>
    %get3A_95 = arith.constant 288 : index
    %get3A_96 = tpu.vector_load %arg6[%get3A_95] {strides = array<i32>} : memref<512xf32, #tpu.memory_space<vmem>>, vector<16xf32>,
    %le3A_97 = arith.cmpf ole, %get3A_96, %gather3A : vector<16xf32>
    %all_reduce_population_count3A_98 = tpu.all_reduce %le3A_97 {dim = 0 : i64, kind = #tpu.reduction_kind<sum>} : vector<16xi1> -> vector<16xi32>
    %add3A_99 = arith.addi %add3A_94, %all_reduce_population_count3A_98 : vector<16xi32>
    %get3A_100 = arith.constant 304 : index
    %get3A_101 = tpu.vector_load %arg6[%get3A_100] {strides = array<i32>} : memref<512xf32, #tpu.memory_space<vmem>>, vector<16xf32>,
    %le3A_102 = arith.cmpf ole, %get3A_101, %gather3A : vector<16xf32>
    %all_reduce_population_count3A_103 = tpu.all_reduce %le3A_102 {dim = 0 : i64, kind = #tpu.reduction_kind<sum>} : vector<16xi1> -> vector<16xi32>
    %add3A_104 = arith.addi %add3A_99, %all_reduce_population_count3A_103 : vector<16xi32>
    %get3A_105 = arith.constant 320 : index
    %get3A_106 = tpu.vector_load %arg6[%get3A_105] {strides = array<i32>} : memref<512xf32, #tpu.memory_space<vmem>>, vector<16xf32>,
    %le3A_107 = arith.cmpf ole, %get3A_106, %gather3A : vector<16xf32>
    %all_reduce_population_count3A_108 = tpu.all_reduce %le3A_107 {dim = 0 : i64, kind = #tpu.reduction_kind<sum>} : vector<16xi1> -> vector<16xi32>
    %add3A_109 = arith.addi %add3A_104, %all_reduce_population_count3A_108 : vector<16xi32>
    %get3A_110 = arith.constant 336 : index
    %get3A_111 = tpu.vector_load %arg6[%get3A_110] {strides = array<i32>} : memref<512xf32, #tpu.memory_space<vmem>>, vector<16xf32>,
    %le3A_112 = arith.cmpf ole, %get3A_111, %gather3A : vector<16xf32>
    %all_reduce_population_count3A_113 = tpu.all_reduce %le3A_112 {dim = 0 : i64, kind = #tpu.reduction_kind<sum>} : vector<16xi1> -> vector<16xi32>
    %add3A_114 = arith.addi %add3A_109, %all_reduce_population_count3A_113 : vector<16xi32>
    %get3A_115 = arith.constant 352 : index
    %get3A_116 = tpu.vector_load %arg6[%get3A_115] {strides = array<i32>} : memref<512xf32, #tpu.memory_space<vmem>>, vector<16xf32>,
    %le3A_117 = arith.cmpf ole, %get3A_116, %gather3A : vector<16xf32>
    %all_reduce_population_count3A_118 = tpu.all_reduce %le3A_117 {dim = 0 : i64, kind = #tpu.reduction_kind<sum>} : vector<16xi1> -> vector<16xi32>
    %add3A_119 = arith.addi %add3A_114, %all_reduce_population_count3A_118 : vector<16xi32>
    %get3A_120 = arith.constant 368 : index
    %get3A_121 = tpu.vector_load %arg6[%get3A_120] {strides = array<i32>} : memref<512xf32, #tpu.memory_space<vmem>>, vector<16xf32>,
    %le3A_122 = arith.cmpf ole, %get3A_121, %gather3A : vector<16xf32>
    %all_reduce_population_count3A_123 = tpu.all_reduce %le3A_122 {dim = 0 : i64, kind = #tpu.reduction_kind<sum>} : vector<16xi1> -> vector<16xi32>
    %add3A_124 = arith.addi %add3A_119, %all_reduce_population_count3A_123 : vector<16xi32>
    %get3A_125 = arith.constant 384 : index
    %get3A_126 = tpu.vector_load %arg6[%get3A_125] {strides = array<i32>} : memref<512xf32, #tpu.memory_space<vmem>>, vector<16xf32>,
    %le3A_127 = arith.cmpf ole, %get3A_126, %gather3A : vector<16xf32>
    %all_reduce_population_count3A_128 = tpu.all_reduce %le3A_127 {dim = 0 : i64, kind = #tpu.reduction_kind<sum>} : vector<16xi1> -> vector<16xi32>
    %add3A_129 = arith.addi %add3A_124, %all_reduce_population_count3A_128 : vector<16xi32>
    %get3A_130 = arith.constant 400 : index
    %get3A_131 = tpu.vector_load %arg6[%get3A_130] {strides = array<i32>} : memref<512xf32, #tpu.memory_space<vmem>>, vector<16xf32>,
    %le3A_132 = arith.cmpf ole, %get3A_131, %gather3A : vector<16xf32>
    %all_reduce_population_count3A_133 = tpu.all_reduce %le3A_132 {dim = 0 : i64, kind = #tpu.reduction_kind<sum>} : vector<16xi1> -> vector<16xi32>
    %add3A_134 = arith.addi %add3A_129, %all_reduce_population_count3A_133 : vector<16xi32>
    %get3A_135 = arith.constant 416 : index
    %get3A_136 = tpu.vector_load %arg6[%get3A_135] {strides = array<i32>} : memref<512xf32, #tpu.memory_space<vmem>>, vector<16xf32>,
    %le3A_137 = arith.cmpf ole, %get3A_136, %gather3A : vector<16xf32>
    %all_reduce_population_count3A_138 = tpu.all_reduce %le3A_137 {dim = 0 : i64, kind = #tpu.reduction_kind<sum>} : vector<16xi1> -> vector<16xi32>
    %add3A_139 = arith.addi %add3A_134, %all_reduce_population_count3A_138 : vector<16xi32>
    %get3A_140 = arith.constant 432 : index
    %get3A_141 = tpu.vector_load %arg6[%get3A_140] {strides = array<i32>} : memref<512xf32, #tpu.memory_space<vmem>>, vector<16xf32>,
    %le3A_142 = arith.cmpf ole, %get3A_141, %gather3A : vector<16xf32>
    %all_reduce_population_count3A_143 = tpu.all_reduce %le3A_142 {dim = 0 : i64, kind = #tpu.reduction_kind<sum>} : vector<16xi1> -> vector<16xi32>
    %add3A_144 = arith.addi %add3A_139, %all_reduce_population_count3A_143 : vector<16xi32>
    %get3A_145 = arith.constant 448 : index
    %get3A_146 = tpu.vector_load %arg6[%get3A_145] {strides = array<i32>} : memref<512xf32, #tpu.memory_space<vmem>>, vector<16xf32>,
    %le3A_147 = arith.cmpf ole, %get3A_146, %gather3A : vector<16xf32>
    %all_reduce_population_count3A_148 = tpu.all_reduce %le3A_147 {dim = 0 : i64, kind = #tpu.reduction_kind<sum>} : vector<16xi1> -> vector<16xi32>
    %add3A_149 = arith.addi %add3A_144, %all_reduce_population_count3A_148 : vector<16xi32>
    %get3A_150 = arith.constant 464 : index
    %get3A_151 = tpu.vector_load %arg6[%get3A_150] {strides = array<i32>} : memref<512xf32, #tpu.memory_space<vmem>>, vector<16xf32>,
    %le3A_152 = arith.cmpf ole, %get3A_151, %gather3A : vector<16xf32>
    %all_reduce_population_count3A_153 = tpu.all_reduce %le3A_152 {dim = 0 : i64, kind = #tpu.reduction_kind<sum>} : vector<16xi1> -> vector<16xi32>
    %add3A_154 = arith.addi %add3A_149, %all_reduce_population_count3A_153 : vector<16xi32>
    %get3A_155 = arith.constant 480 : index
    %get3A_156 = tpu.vector_load %arg6[%get3A_155] {strides = array<i32>} : memref<512xf32, #tpu.memory_space<vmem>>, vector<16xf32>,
    %le3A_157 = arith.cmpf ole, %get3A_156, %gather3A : vector<16xf32>
    %all_reduce_population_count3A_158 = tpu.all_reduce %le3A_157 {dim = 0 : i64, kind = #tpu.reduction_kind<sum>} : vector<16xi1> -> vector<16xi32>
    %add3A_159 = arith.addi %add3A_154, %all_reduce_population_count3A_158 : vector<16xi32>
    %get3A_160 = arith.constant 496 : index
    %get3A_161 = tpu.vector_load %arg6[%get3A_160] {strides = array<i32>} : memref<512xf32, #tpu.memory_space<vmem>>, vector<16xf32>,
    %le3A_162 = arith.cmpf ole, %get3A_161, %gather3A : vector<16xf32>
    %all_reduce_population_count3A_163 = tpu.all_reduce %le3A_162 {dim = 0 : i64, kind = #tpu.reduction_kind<sum>} : vector<16xi1> -> vector<16xi32>
    %add3A_164 = arith.addi %add3A_159, %all_reduce_population_count3A_163 : vector<16xi32>
    %jit3A = arith.constant 1 : i32
    %jit3A_165 = arith.constant 511 : i32
    %max3A = vector.broadcast %jit3A : i32 to vector<16xi32>
    %max3A_166 = arith.maxsi %max3A, %add3A_164 : vector<16xi32>
    %min3A = vector.broadcast %jit3A_165 : i32 to vector<16xi32>
    %min3A_167 = arith.minsi %min3A, %max3A_166 : vector<16xi32>
    %sub3A = arith.constant 1 : i32
    %sub3A_168 = vector.broadcast %sub3A : i32 to vector<16xi32>
    %sub3A_169 = arith.subi %min3A_167, %sub3A_168 : vector<16xi32>
    %gather3A_170 = tpu.vector_load_idx %arg6[%sub3A_169] : memref<512xf32, #tpu.memory_space<vmem>>[vector<16xi32>], vector<16xf32>,
    %gather3A_171 = tpu.vector_load_idx %arg6[%min3A_167] : memref<512xf32, #tpu.memory_space<vmem>>[vector<16xi32>], vector<16xf32>,
    %sub3A_172 = arith.constant 1 : i32
    %sub3A_173 = vector.broadcast %sub3A_172 : i32 to vector<16xi32>
    %sub3A_174 = arith.subi %min3A_167, %sub3A_173 : vector<16xi32>
    %convert_element_type3A = arith.sitofp %sub3A_174 : vector<16xi32> to vector<16xf32>
    %sub3A_175 = arith.subf %gather3A, %gather3A_170 : vector<16xf32>
    %sub3A_176 = arith.subf %gather3A_171, %gather3A_170 : vector<16xf32>
    %div3A = arith.divf %sub3A_175, %sub3A_176 : vector<16xf32>
    %add3A_177 = arith.addf %convert_element_type3A, %div3A : vector<16xf32>
    %eq3A = arith.constant 0 : i32
    %eq3A_178 = vector.broadcast %eq3A : i32 to vector<16xi32>
    %eq3A_179 = arith.cmpi eq, %add3A_164, %eq3A_178 : vector<16xi32>
    %jit3A_180 = arith.constant 0.000000e+00 : f32
    %broadcast_in_dim3A_181 = vector.broadcast %jit3A_180 : f32 to vector<16xf32>
    %select_n3A = arith.select %eq3A_179, %broadcast_in_dim3A_181, %add3A_177 : vector<16xi1>, vector<16xf32>
    %eq3A_182 = arith.constant 512 : i32
    %eq3A_183 = vector.broadcast %eq3A_182 : i32 to vector<16xi32>
    %eq3A_184 = arith.cmpi eq, %add3A_164, %eq3A_183 : vector<16xi32>
    %jit3A_185 = arith.constant 5.110000e+02 : f32
    %broadcast_in_dim3A_186 = vector.broadcast %jit3A_185 : f32 to vector<16xf32>
    %select_n3A_187 = arith.select %eq3A_184, %broadcast_in_dim3A_186, %select_n3A : vector<16xi1>, vector<16xf32>
    %convert_element_type3A_188 = arith.fptosi %select_n3A_187 : vector<16xf32> to vector<16xi32>
    %convert_element_type3A_189 = arith.sitofp %convert_element_type3A_188 : vector<16xi32> to vector<16xf32>
    %sub3A_190 = arith.subf %select_n3A_187, %convert_element_type3A_189 : vector<16xf32>
    %gt3A = arith.constant 5.000000e-01 : f32
    %gt3A_191 = vector.broadcast %gt3A : f32 to vector<16xf32>
    %gt3A_192 = arith.cmpf ogt, %sub3A_190, %gt3A_191 : vector<16xf32>
    %eq3A_193 = arith.constant 5.000000e-01 : f32
    %eq3A_194 = vector.broadcast %eq3A_193 : f32 to vector<16xf32>
    %eq3A_195 = arith.cmpf oeq, %sub3A_190, %eq3A_194 : vector<16xf32>
    %jit3A_196 = arith.constant 2 : i32
    %eq3A_197 = arith.constant 0 : i32
    %eq3A_198 = arith.cmpi eq, %jit3A_196, %eq3A_197 : i32
    %jit3A_199 = arith.constant 1 : i32
    %select_n3A_200 = arith.select %eq3A_198, %jit3A_199, %jit3A_196 : i32
    %rem3A = vector.broadcast %select_n3A_200 : i32 to vector<16xi32>
    %rem3A_201 = arith.remsi %convert_element_type3A_188, %rem3A : vector<16xi32>
    %ne3A = arith.constant 0 : i32
    %ne3A_202 = vector.broadcast %ne3A : i32 to vector<16xi32>
    %ne3A_203 = arith.cmpi ne, %rem3A_201, %ne3A_202 : vector<16xi32>
    %lt3A = arith.constant 0 : i32
    %lt3A_204 = vector.broadcast %lt3A : i32 to vector<16xi32>
    %lt3A_205 = arith.cmpi slt, %rem3A_201, %lt3A_204 : vector<16xi32>
    %lt3A_206 = arith.constant 0 : i32
    %lt3A_207 = arith.cmpi slt, %select_n3A_200, %lt3A_206 : i32
    %ne3A_208 = vector.broadcast %lt3A_207 : i1 to vector<16xi1>
    %ne3A_209 = vector.broadcast %ne3A_208 : vector<16xi1> to vector<16xi1>
    %ne3A_210 = arith.xori %lt3A_205, %ne3A_209 : vector<16xi1>
    %and3A = arith.andi %ne3A_210, %ne3A_203 : vector<16xi1>
    %add3A_211 = vector.broadcast %select_n3A_200 : i32 to vector<16xi32>
    %add3A_212 = arith.addi %rem3A_201, %add3A_211 : vector<16xi32>
    %select_n3A_213 = arith.select %and3A, %add3A_212, %rem3A_201 : vector<16xi1>, vector<16xi32>
    %eq3A_214 = arith.constant 1 : i32
    %eq3A_215 = vector.broadcast %eq3A_214 : i32 to vector<16xi32>
    %eq3A_216 = arith.cmpi eq, %select_n3A_213, %eq3A_215 : vector<16xi32>
    %and3A_217 = arith.andi %eq3A_195, %eq3A_216 : vector<16xi1>
    %or3A = arith.ori %gt3A_192, %and3A_217 : vector<16xi1>
    %jit3A_218 = arith.constant 1 : i32
    %jit3A_219 = arith.constant 0 : i32
    %broadcast_in_dim3A_220 = vector.broadcast %jit3A_218 : i32 to vector<16xi32>
    %broadcast_in_dim3A_221 = vector.broadcast %jit3A_219 : i32 to vector<16xi32>
    %select_n3A_222 = arith.select %or3A, %broadcast_in_dim3A_220, %broadcast_in_dim3A_221 : vector<16xi1>, vector<16xi32>
    %add3A_223 = arith.addi %convert_element_type3A_188, %select_n3A_222 : vector<16xi32>
    %swap3A = arith.constant 0 : index
    %swap3A_224 = tpu.vector_load %arg9[%swap3A] {strides = array<i32>} : memref<16xi32, #tpu.memory_space<vmem>>, vector<16xi32>,
    tpu.vector_store %arg9[%swap3A], %add3A_223 {strides = array<i32>} : memref<16xi32, #tpu.memory_space<vmem>>, vector<16xi32>,
    %broadcast_in_dim3A_225 = arith.constant 0 : i32
    %broadcast_in_dim3A_226 = vector.broadcast %broadcast_in_dim3A_225 : i32 to vector<16xi32>
    %get3A_227 = arith.constant 0 : index
    %get3A_228 = tpu.vector_load %arg7[%get3A_227] {strides = array<i32>} : memref<512xf32, #tpu.memory_space<vmem>>, vector<16xf32>,
    %le3A_229 = arith.cmpf ole, %get3A_228, %gather3A : vector<16xf32>
    %all_reduce_population_count3A_230 = tpu.all_reduce %le3A_229 {dim = 0 : i64, kind = #tpu.reduction_kind<sum>} : vector<16xi1> -> vector<16xi32>
    %add3A_231 = arith.addi %broadcast_in_dim3A_226, %all_reduce_population_count3A_230 : vector<16xi32>
    %get3A_232 = arith.constant 16 : index
    %get3A_233 = tpu.vector_load %arg7[%get3A_232] {strides = array<i32>} : memref<512xf32, #tpu.memory_space<vmem>>, vector<16xf32>,
    %le3A_234 = arith.cmpf ole, %get3A_233, %gather3A : vector<16xf32>
    %all_reduce_population_count3A_235 = tpu.all_reduce %le3A_234 {dim = 0 : i64, kind = #tpu.reduction_kind<sum>} : vector<16xi1> -> vector<16xi32>
    %add3A_236 = arith.addi %add3A_231, %all_reduce_population_count3A_235 : vector<16xi32>
    %get3A_237 = arith.constant 32 : index
    %get3A_238 = tpu.vector_load %arg7[%get3A_237] {strides = array<i32>} : memref<512xf32, #tpu.memory_space<vmem>>, vector<16xf32>,
    %le3A_239 = arith.cmpf ole, %get3A_238, %gather3A : vector<16xf32>
    %all_reduce_population_count3A_240 = tpu.all_reduce %le3A_239 {dim = 0 : i64, kind = #tpu.reduction_kind<sum>} : vector<16xi1> -> vector<16xi32>
    %add3A_241 = arith.addi %add3A_236, %all_reduce_population_count3A_240 : vector<16xi32>
    %get3A_242 = arith.constant 48 : index
    %get3A_243 = tpu.vector_load %arg7[%get3A_242] {strides = array<i32>} : memref<512xf32, #tpu.memory_space<vmem>>, vector<16xf32>,
    %le3A_244 = arith.cmpf ole, %get3A_243, %gather3A : vector<16xf32>
    %all_reduce_population_count3A_245 = tpu.all_reduce %le3A_244 {dim = 0 : i64, kind = #tpu.reduction_kind<sum>} : vector<16xi1> -> vector<16xi32>
    %add3A_246 = arith.addi %add3A_241, %all_reduce_population_count3A_245 : vector<16xi32>
    %get3A_247 = arith.constant 64 : index
    %get3A_248 = tpu.vector_load %arg7[%get3A_247] {strides = array<i32>} : memref<512xf32, #tpu.memory_space<vmem>>, vector<16xf32>,
    %le3A_249 = arith.cmpf ole, %get3A_248, %gather3A : vector<16xf32>
    %all_reduce_population_count3A_250 = tpu.all_reduce %le3A_249 {dim = 0 : i64, kind = #tpu.reduction_kind<sum>} : vector<16xi1> -> vector<16xi32>
    %add3A_251 = arith.addi %add3A_246, %all_reduce_population_count3A_250 : vector<16xi32>
    %get3A_252 = arith.constant 80 : index
    %get3A_253 = tpu.vector_load %arg7[%get3A_252] {strides = array<i32>} : memref<512xf32, #tpu.memory_space<vmem>>, vector<16xf32>,
    %le3A_254 = arith.cmpf ole, %get3A_253, %gather3A : vector<16xf32>
    %all_reduce_population_count3A_255 = tpu.all_reduce %le3A_254 {dim = 0 : i64, kind = #tpu.reduction_kind<sum>} : vector<16xi1> -> vector<16xi32>
    %add3A_256 = arith.addi %add3A_251, %all_reduce_population_count3A_255 : vector<16xi32>
    %get3A_257 = arith.constant 96 : index
    %get3A_258 = tpu.vector_load %arg7[%get3A_257] {strides = array<i32>} : memref<512xf32, #tpu.memory_space<vmem>>, vector<16xf32>,
    %le3A_259 = arith.cmpf ole, %get3A_258, %gather3A : vector<16xf32>
    %all_reduce_population_count3A_260 = tpu.all_reduce %le3A_259 {dim = 0 : i64, kind = #tpu.reduction_kind<sum>} : vector<16xi1> -> vector<16xi32>
    %add3A_261 = arith.addi %add3A_256, %all_reduce_population_count3A_260 : vector<16xi32>
    %get3A_262 = arith.constant 112 : index
    %get3A_263 = tpu.vector_load %arg7[%get3A_262] {strides = array<i32>} : memref<512xf32, #tpu.memory_space<vmem>>, vector<16xf32>,
    %le3A_264 = arith.cmpf ole, %get3A_263, %gather3A : vector<16xf32>
    %all_reduce_population_count3A_265 = tpu.all_reduce %le3A_264 {dim = 0 : i64, kind = #tpu.reduction_kind<sum>} : vector<16xi1> -> vector<16xi32>
    %add3A_266 = arith.addi %add3A_261, %all_reduce_population_count3A_265 : vector<16xi32>
    %get3A_267 = arith.constant 128 : index
    %get3A_268 = tpu.vector_load %arg7[%get3A_267] {strides = array<i32>} : memref<512xf32, #tpu.memory_space<vmem>>, vector<16xf32>,
    %le3A_269 = arith.cmpf ole, %get3A_268, %gather3A : vector<16xf32>
    %all_reduce_population_count3A_270 = tpu.all_reduce %le3A_269 {dim = 0 : i64, kind = #tpu.reduction_kind<sum>} : vector<16xi1> -> vector<16xi32>
    %add3A_271 = arith.addi %add3A_266, %all_reduce_population_count3A_270 : vector<16xi32>
    %get3A_272 = arith.constant 144 : index
    %get3A_273 = tpu.vector_load %arg7[%get3A_272] {strides = array<i32>} : memref<512xf32, #tpu.memory_space<vmem>>, vector<16xf32>,
    %le3A_274 = arith.cmpf ole, %get3A_273, %gather3A : vector<16xf32>
    %all_reduce_population_count3A_275 = tpu.all_reduce %le3A_274 {dim = 0 : i64, kind = #tpu.reduction_kind<sum>} : vector<16xi1> -> vector<16xi32>
    %add3A_276 = arith.addi %add3A_271, %all_reduce_population_count3A_275 : vector<16xi32>
    %get3A_277 = arith.constant 160 : index
    %get3A_278 = tpu.vector_load %arg7[%get3A_277] {strides = array<i32>} : memref<512xf32, #tpu.memory_space<vmem>>, vector<16xf32>,
    %le3A_279 = arith.cmpf ole, %get3A_278, %gather3A : vector<16xf32>
    %all_reduce_population_count3A_280 = tpu.all_reduce %le3A_279 {dim = 0 : i64, kind = #tpu.reduction_kind<sum>} : vector<16xi1> -> vector<16xi32>
    %add3A_281 = arith.addi %add3A_276, %all_reduce_population_count3A_280 : vector<16xi32>
    %get3A_282 = arith.constant 176 : index
    %get3A_283 = tpu.vector_load %arg7[%get3A_282] {strides = array<i32>} : memref<512xf32, #tpu.memory_space<vmem>>, vector<16xf32>,
    %le3A_284 = arith.cmpf ole, %get3A_283, %gather3A : vector<16xf32>
    %all_reduce_population_count3A_285 = tpu.all_reduce %le3A_284 {dim = 0 : i64, kind = #tpu.reduction_kind<sum>} : vector<16xi1> -> vector<16xi32>
    %add3A_286 = arith.addi %add3A_281, %all_reduce_population_count3A_285 : vector<16xi32>
    %get3A_287 = arith.constant 192 : index
    %get3A_288 = tpu.vector_load %arg7[%get3A_287] {strides = array<i32>} : memref<512xf32, #tpu.memory_space<vmem>>, vector<16xf32>,
    %le3A_289 = arith.cmpf ole, %get3A_288, %gather3A : vector<16xf32>
    %all_reduce_population_count3A_290 = tpu.all_reduce %le3A_289 {dim = 0 : i64, kind = #tpu.reduction_kind<sum>} : vector<16xi1> -> vector<16xi32>
    %add3A_291 = arith.addi %add3A_286, %all_reduce_population_count3A_290 : vector<16xi32>
    %get3A_292 = arith.constant 208 : index
    %get3A_293 = tpu.vector_load %arg7[%get3A_292] {strides = array<i32>} : memref<512xf32, #tpu.memory_space<vmem>>, vector<16xf32>,
    %le3A_294 = arith.cmpf ole, %get3A_293, %gather3A : vector<16xf32>
    %all_reduce_population_count3A_295 = tpu.all_reduce %le3A_294 {dim = 0 : i64, kind = #tpu.reduction_kind<sum>} : vector<16xi1> -> vector<16xi32>
    %add3A_296 = arith.addi %add3A_291, %all_reduce_population_count3A_295 : vector<16xi32>
    %get3A_297 = arith.constant 224 : index
    %get3A_298 = tpu.vector_load %arg7[%get3A_297] {strides = array<i32>} : memref<512xf32, #tpu.memory_space<vmem>>, vector<16xf32>,
    %le3A_299 = arith.cmpf ole, %get3A_298, %gather3A : vector<16xf32>
    %all_reduce_population_count3A_300 = tpu.all_reduce %le3A_299 {dim = 0 : i64, kind = #tpu.reduction_kind<sum>} : vector<16xi1> -> vector<16xi32>
    %add3A_301 = arith.addi %add3A_296, %all_reduce_population_count3A_300 : vector<16xi32>
    %get3A_302 = arith.constant 240 : index
    %get3A_303 = tpu.vector_load %arg7[%get3A_302] {strides = array<i32>} : memref<512xf32, #tpu.memory_space<vmem>>, vector<16xf32>,
    %le3A_304 = arith.cmpf ole, %get3A_303, %gather3A : vector<16xf32>
    %all_reduce_population_count3A_305 = tpu.all_reduce %le3A_304 {dim = 0 : i64, kind = #tpu.reduction_kind<sum>} : vector<16xi1> -> vector<16xi32>
    %add3A_306 = arith.addi %add3A_301, %all_reduce_population_count3A_305 : vector<16xi32>
    %get3A_307 = arith.constant 256 : index
    %get3A_308 = tpu.vector_load %arg7[%get3A_307] {strides = array<i32>} : memref<512xf32, #tpu.memory_space<vmem>>, vector<16xf32>,
    %le3A_309 = arith.cmpf ole, %get3A_308, %gather3A : vector<16xf32>
    %all_reduce_population_count3A_310 = tpu.all_reduce %le3A_309 {dim = 0 : i64, kind = #tpu.reduction_kind<sum>} : vector<16xi1> -> vector<16xi32>
    %add3A_311 = arith.addi %add3A_306, %all_reduce_population_count3A_310 : vector<16xi32>
    %get3A_312 = arith.constant 272 : index
    %get3A_313 = tpu.vector_load %arg7[%get3A_312] {strides = array<i32>} : memref<512xf32, #tpu.memory_space<vmem>>, vector<16xf32>,
    %le3A_314 = arith.cmpf ole, %get3A_313, %gather3A : vector<16xf32>
    %all_reduce_population_count3A_315 = tpu.all_reduce %le3A_314 {dim = 0 : i64, kind = #tpu.reduction_kind<sum>} : vector<16xi1> -> vector<16xi32>
    %add3A_316 = arith.addi %add3A_311, %all_reduce_population_count3A_315 : vector<16xi32>
    %get3A_317 = arith.constant 288 : index
    %get3A_318 = tpu.vector_load %arg7[%get3A_317] {strides = array<i32>} : memref<512xf32, #tpu.memory_space<vmem>>, vector<16xf32>,
    %le3A_319 = arith.cmpf ole, %get3A_318, %gather3A : vector<16xf32>
    %all_reduce_population_count3A_320 = tpu.all_reduce %le3A_319 {dim = 0 : i64, kind = #tpu.reduction_kind<sum>} : vector<16xi1> -> vector<16xi32>
    %add3A_321 = arith.addi %add3A_316, %all_reduce_population_count3A_320 : vector<16xi32>
    %get3A_322 = arith.constant 304 : index
    %get3A_323 = tpu.vector_load %arg7[%get3A_322] {strides = array<i32>} : memref<512xf32, #tpu.memory_space<vmem>>, vector<16xf32>,
    %le3A_324 = arith.cmpf ole, %get3A_323, %gather3A : vector<16xf32>
    %all_reduce_population_count3A_325 = tpu.all_reduce %le3A_324 {dim = 0 : i64, kind = #tpu.reduction_kind<sum>} : vector<16xi1> -> vector<16xi32>
    %add3A_326 = arith.addi %add3A_321, %all_reduce_population_count3A_325 : vector<16xi32>
    %get3A_327 = arith.constant 320 : index
    %get3A_328 = tpu.vector_load %arg7[%get3A_327] {strides = array<i32>} : memref<512xf32, #tpu.memory_space<vmem>>, vector<16xf32>,
    %le3A_329 = arith.cmpf ole, %get3A_328, %gather3A : vector<16xf32>
    %all_reduce_population_count3A_330 = tpu.all_reduce %le3A_329 {dim = 0 : i64, kind = #tpu.reduction_kind<sum>} : vector<16xi1> -> vector<16xi32>
    %add3A_331 = arith.addi %add3A_326, %all_reduce_population_count3A_330 : vector<16xi32>
    %get3A_332 = arith.constant 336 : index
    %get3A_333 = tpu.vector_load %arg7[%get3A_332] {strides = array<i32>} : memref<512xf32, #tpu.memory_space<vmem>>, vector<16xf32>,
    %le3A_334 = arith.cmpf ole, %get3A_333, %gather3A : vector<16xf32>
    %all_reduce_population_count3A_335 = tpu.all_reduce %le3A_334 {dim = 0 : i64, kind = #tpu.reduction_kind<sum>} : vector<16xi1> -> vector<16xi32>
    %add3A_336 = arith.addi %add3A_331, %all_reduce_population_count3A_335 : vector<16xi32>
    %get3A_337 = arith.constant 352 : index
    %get3A_338 = tpu.vector_load %arg7[%get3A_337] {strides = array<i32>} : memref<512xf32, #tpu.memory_space<vmem>>, vector<16xf32>,
    %le3A_339 = arith.cmpf ole, %get3A_338, %gather3A : vector<16xf32>
    %all_reduce_population_count3A_340 = tpu.all_reduce %le3A_339 {dim = 0 : i64, kind = #tpu.reduction_kind<sum>} : vector<16xi1> -> vector<16xi32>
    %add3A_341 = arith.addi %add3A_336, %all_reduce_population_count3A_340 : vector<16xi32>
    %get3A_342 = arith.constant 368 : index
    %get3A_343 = tpu.vector_load %arg7[%get3A_342] {strides = array<i32>} : memref<512xf32, #tpu.memory_space<vmem>>, vector<16xf32>,
    %le3A_344 = arith.cmpf ole, %get3A_343, %gather3A : vector<16xf32>
    %all_reduce_population_count3A_345 = tpu.all_reduce %le3A_344 {dim = 0 : i64, kind = #tpu.reduction_kind<sum>} : vector<16xi1> -> vector<16xi32>
    %add3A_346 = arith.addi %add3A_341, %all_reduce_population_count3A_345 : vector<16xi32>
    %get3A_347 = arith.constant 384 : index
    %get3A_348 = tpu.vector_load %arg7[%get3A_347] {strides = array<i32>} : memref<512xf32, #tpu.memory_space<vmem>>, vector<16xf32>,
    %le3A_349 = arith.cmpf ole, %get3A_348, %gather3A : vector<16xf32>
    %all_reduce_population_count3A_350 = tpu.all_reduce %le3A_349 {dim = 0 : i64, kind = #tpu.reduction_kind<sum>} : vector<16xi1> -> vector<16xi32>
    %add3A_351 = arith.addi %add3A_346, %all_reduce_population_count3A_350 : vector<16xi32>
    %get3A_352 = arith.constant 400 : index
    %get3A_353 = tpu.vector_load %arg7[%get3A_352] {strides = array<i32>} : memref<512xf32, #tpu.memory_space<vmem>>, vector<16xf32>,
    %le3A_354 = arith.cmpf ole, %get3A_353, %gather3A : vector<16xf32>
    %all_reduce_population_count3A_355 = tpu.all_reduce %le3A_354 {dim = 0 : i64, kind = #tpu.reduction_kind<sum>} : vector<16xi1> -> vector<16xi32>
    %add3A_356 = arith.addi %add3A_351, %all_reduce_population_count3A_355 : vector<16xi32>
    %get3A_357 = arith.constant 416 : index
    %get3A_358 = tpu.vector_load %arg7[%get3A_357] {strides = array<i32>} : memref<512xf32, #tpu.memory_space<vmem>>, vector<16xf32>,
    %le3A_359 = arith.cmpf ole, %get3A_358, %gather3A : vector<16xf32>
    %all_reduce_population_count3A_360 = tpu.all_reduce %le3A_359 {dim = 0 : i64, kind = #tpu.reduction_kind<sum>} : vector<16xi1> -> vector<16xi32>
    %add3A_361 = arith.addi %add3A_356, %all_reduce_population_count3A_360 : vector<16xi32>
    %get3A_362 = arith.constant 432 : index
    %get3A_363 = tpu.vector_load %arg7[%get3A_362] {strides = array<i32>} : memref<512xf32, #tpu.memory_space<vmem>>, vector<16xf32>,
    %le3A_364 = arith.cmpf ole, %get3A_363, %gather3A : vector<16xf32>
    %all_reduce_population_count3A_365 = tpu.all_reduce %le3A_364 {dim = 0 : i64, kind = #tpu.reduction_kind<sum>} : vector<16xi1> -> vector<16xi32>
    %add3A_366 = arith.addi %add3A_361, %all_reduce_population_count3A_365 : vector<16xi32>
    %get3A_367 = arith.constant 448 : index
    %get3A_368 = tpu.vector_load %arg7[%get3A_367] {strides = array<i32>} : memref<512xf32, #tpu.memory_space<vmem>>, vector<16xf32>,
    %le3A_369 = arith.cmpf ole, %get3A_368, %gather3A : vector<16xf32>
    %all_reduce_population_count3A_370 = tpu.all_reduce %le3A_369 {dim = 0 : i64, kind = #tpu.reduction_kind<sum>} : vector<16xi1> -> vector<16xi32>
    %add3A_371 = arith.addi %add3A_366, %all_reduce_population_count3A_370 : vector<16xi32>
    %get3A_372 = arith.constant 464 : index
    %get3A_373 = tpu.vector_load %arg7[%get3A_372] {strides = array<i32>} : memref<512xf32, #tpu.memory_space<vmem>>, vector<16xf32>,
    %le3A_374 = arith.cmpf ole, %get3A_373, %gather3A : vector<16xf32>
    %all_reduce_population_count3A_375 = tpu.all_reduce %le3A_374 {dim = 0 : i64, kind = #tpu.reduction_kind<sum>} : vector<16xi1> -> vector<16xi32>
    %add3A_376 = arith.addi %add3A_371, %all_reduce_population_count3A_375 : vector<16xi32>
    %get3A_377 = arith.constant 480 : index
    %get3A_378 = tpu.vector_load %arg7[%get3A_377] {strides = array<i32>} : memref<512xf32, #tpu.memory_space<vmem>>, vector<16xf32>,
    %le3A_379 = arith.cmpf ole, %get3A_378, %gather3A : vector<16xf32>
    %all_reduce_population_count3A_380 = tpu.all_reduce %le3A_379 {dim = 0 : i64, kind = #tpu.reduction_kind<sum>} : vector<16xi1> -> vector<16xi32>
    %add3A_381 = arith.addi %add3A_376, %all_reduce_population_count3A_380 : vector<16xi32>
    %get3A_382 = arith.constant 496 : index
    %get3A_383 = tpu.vector_load %arg7[%get3A_382] {strides = array<i32>} : memref<512xf32, #tpu.memory_space<vmem>>, vector<16xf32>,
    %le3A_384 = arith.cmpf ole, %get3A_383, %gather3A : vector<16xf32>
    %all_reduce_population_count3A_385 = tpu.all_reduce %le3A_384 {dim = 0 : i64, kind = #tpu.reduction_kind<sum>} : vector<16xi1> -> vector<16xi32>
    %add3A_386 = arith.addi %add3A_381, %all_reduce_population_count3A_385 : vector<16xi32>
    %jit3A_387 = arith.constant 1 : i32
    %jit3A_388 = arith.constant 511 : i32
    %max3A_389 = vector.broadcast %jit3A_387 : i32 to vector<16xi32>
    %max3A_390 = arith.maxsi %max3A_389, %add3A_386 : vector<16xi32>
    %min3A_391 = vector.broadcast %jit3A_388 : i32 to vector<16xi32>
    %min3A_392 = arith.minsi %min3A_391, %max3A_390 : vector<16xi32>
    %sub3A_393 = arith.constant 1 : i32
    %sub3A_394 = vector.broadcast %sub3A_393 : i32 to vector<16xi32>
    %sub3A_395 = arith.subi %min3A_392, %sub3A_394 : vector<16xi32>
    %gather3A_396 = tpu.vector_load_idx %arg7[%sub3A_395] : memref<512xf32, #tpu.memory_space<vmem>>[vector<16xi32>], vector<16xf32>,
    %gather3A_397 = tpu.vector_load_idx %arg7[%min3A_392] : memref<512xf32, #tpu.memory_space<vmem>>[vector<16xi32>], vector<16xf32>,
    %sub3A_398 = arith.constant 1 : i32
    %sub3A_399 = vector.broadcast %sub3A_398 : i32 to vector<16xi32>
    %sub3A_400 = arith.subi %min3A_392, %sub3A_399 : vector<16xi32>
    %convert_element_type3A_401 = arith.sitofp %sub3A_400 : vector<16xi32> to vector<16xf32>
    %sub3A_402 = arith.subf %gather3A, %gather3A_396 : vector<16xf32>
    %sub3A_403 = arith.subf %gather3A_397, %gather3A_396 : vector<16xf32>
    %div3A_404 = arith.divf %sub3A_402, %sub3A_403 : vector<16xf32>
    %add3A_405 = arith.addf %convert_element_type3A_401, %div3A_404 : vector<16xf32>
    %eq3A_406 = arith.constant 0 : i32
    %eq3A_407 = vector.broadcast %eq3A_406 : i32 to vector<16xi32>
    %eq3A_408 = arith.cmpi eq, %add3A_386, %eq3A_407 : vector<16xi32>
    %jit3A_409 = arith.constant 0.000000e+00 : f32
    %broadcast_in_dim3A_410 = vector.broadcast %jit3A_409 : f32 to vector<16xf32>
    %select_n3A_411 = arith.select %eq3A_408, %broadcast_in_dim3A_410, %add3A_405 : vector<16xi1>, vector<16xf32>
    %eq3A_412 = arith.constant 512 : i32
    %eq3A_413 = vector.broadcast %eq3A_412 : i32 to vector<16xi32>
    %eq3A_414 = arith.cmpi eq, %add3A_386, %eq3A_413 : vector<16xi32>
    %jit3A_415 = arith.constant 5.110000e+02 : f32
    %broadcast_in_dim3A_416 = vector.broadcast %jit3A_415 : f32 to vector<16xf32>
    %select_n3A_417 = arith.select %eq3A_414, %broadcast_in_dim3A_416, %select_n3A_411 : vector<16xi1>, vector<16xf32>
    %convert_element_type3A_418 = arith.fptosi %select_n3A_417 : vector<16xf32> to vector<16xi32>
    %convert_element_type3A_419 = arith.sitofp %convert_element_type3A_418 : vector<16xi32> to vector<16xf32>
    %sub3A_420 = arith.subf %select_n3A_417, %convert_element_type3A_419 : vector<16xf32>
    %gt3A_421 = arith.constant 5.000000e-01 : f32
    %gt3A_422 = vector.broadcast %gt3A_421 : f32 to vector<16xf32>
    %gt3A_423 = arith.cmpf ogt, %sub3A_420, %gt3A_422 : vector<16xf32>
    %eq3A_424 = arith.constant 5.000000e-01 : f32
    %eq3A_425 = vector.broadcast %eq3A_424 : f32 to vector<16xf32>
    %eq3A_426 = arith.cmpf oeq, %sub3A_420, %eq3A_425 : vector<16xf32>
    %jit3A_427 = arith.constant 2 : i32
    %eq3A_428 = arith.constant 0 : i32
    %eq3A_429 = arith.cmpi eq, %jit3A_427, %eq3A_428 : i32
    %jit3A_430 = arith.constant 1 : i32
    %select_n3A_431 = arith.select %eq3A_429, %jit3A_430, %jit3A_427 : i32
    %rem3A_432 = vector.broadcast %select_n3A_431 : i32 to vector<16xi32>
    %rem3A_433 = arith.remsi %convert_element_type3A_418, %rem3A_432 : vector<16xi32>
    %ne3A_434 = arith.constant 0 : i32
    %ne3A_435 = vector.broadcast %ne3A_434 : i32 to vector<16xi32>
    %ne3A_436 = arith.cmpi ne, %rem3A_433, %ne3A_435 : vector<16xi32>
    %lt3A_437 = arith.constant 0 : i32
    %lt3A_438 = vector.broadcast %lt3A_437 : i32 to vector<16xi32>
    %lt3A_439 = arith.cmpi slt, %rem3A_433, %lt3A_438 : vector<16xi32>
    %lt3A_440 = arith.constant 0 : i32
    %lt3A_441 = arith.cmpi slt, %select_n3A_431, %lt3A_440 : i32
    %ne3A_442 = vector.broadcast %lt3A_441 : i1 to vector<16xi1>
    %ne3A_443 = vector.broadcast %ne3A_442 : vector<16xi1> to vector<16xi1>
    %ne3A_444 = arith.xori %lt3A_439, %ne3A_443 : vector<16xi1>
    %and3A_445 = arith.andi %ne3A_444, %ne3A_436 : vector<16xi1>
    %add3A_446 = vector.broadcast %select_n3A_431 : i32 to vector<16xi32>
    %add3A_447 = arith.addi %rem3A_433, %add3A_446 : vector<16xi32>
    %select_n3A_448 = arith.select %and3A_445, %add3A_447, %rem3A_433 : vector<16xi1>, vector<16xi32>
    %eq3A_449 = arith.constant 1 : i32
    %eq3A_450 = vector.broadcast %eq3A_449 : i32 to vector<16xi32>
    %eq3A_451 = arith.cmpi eq, %select_n3A_448, %eq3A_450 : vector<16xi32>
    %and3A_452 = arith.andi %eq3A_426, %eq3A_451 : vector<16xi1>
    %or3A_453 = arith.ori %gt3A_423, %and3A_452 : vector<16xi1>
    %jit3A_454 = arith.constant 1 : i32
    %jit3A_455 = arith.constant 0 : i32
    %broadcast_in_dim3A_456 = vector.broadcast %jit3A_454 : i32 to vector<16xi32>
    %broadcast_in_dim3A_457 = vector.broadcast %jit3A_455 : i32 to vector<16xi32>
    %select_n3A_458 = arith.select %or3A_453, %broadcast_in_dim3A_456, %broadcast_in_dim3A_457 : vector<16xi1>, vector<16xi32>
    %add3A_459 = arith.addi %convert_element_type3A_418, %select_n3A_458 : vector<16xi32>
    %swap3A_460 = arith.constant 0 : index
    %swap3A_461 = tpu.vector_load %arg10[%swap3A_460] {strides = array<i32>} : memref<16xi32, #tpu.memory_space<vmem>>, vector<16xi32>,
    tpu.vector_store %arg10[%swap3A_460], %add3A_459 {strides = array<i32>} : memref<16xi32, #tpu.memory_space<vmem>>, vector<16xi32>,
    %run_scoped3A = arith.constant 0 : i32
    "tpu.region"() ({
      %run_scoped3A_463 = tpu.sem_alloc : memref<!tpu.dma_semaphore, #tpu.memory_space<semaphore_mem>>
      %dma_start3A_464 = arith.constant 0 : i32
      %dma_start3A_465 = tpu.memref_slice %arg5[%run_scoped3A, %dma_start3A_464] : memref<2x16xi32, #tpu.memory_space<hbm>> -> memref<1x16xi32, #tpu.memory_space<hbm>>
      %dma_start3A_466 = tpu.memref_squeeze %dma_start3A_465 : memref<1x16xi32, #tpu.memory_space<hbm>> -> memref<16xi32, #tpu.memory_space<hbm>>
      %dma_start3A_467 = arith.constant 0 : i32
      %dma_start3A_468 = tpu.memref_slice %arg5[%run_scoped3A, %dma_start3A_467] : memref<2x16xi32, #tpu.memory_space<hbm>> -> memref<1x16xi32, #tpu.memory_space<hbm>>
      %dma_start3A_469 = tpu.memref_squeeze %dma_start3A_468 : memref<1x16xi32, #tpu.memory_space<hbm>> -> memref<16xi32, #tpu.memory_space<hbm>>
      tpu.enqueue_dma source(%arg9 : memref<16xi32, #tpu.memory_space<vmem>>) target(%dma_start3A_469 : memref<16xi32, #tpu.memory_space<hbm>>) target_semaphore(%run_scoped3A_463 : memref<!tpu.dma_semaphore, #tpu.memory_space<semaphore_mem>>)
      %dma_wait3A_470 = arith.constant 0 : i32
      %dma_wait3A_471 = tpu.memref_slice %arg5[%run_scoped3A, %dma_wait3A_470] : memref<2x16xi32, #tpu.memory_space<hbm>> -> memref<1x16xi32, #tpu.memory_space<hbm>>
      %dma_wait3A_472 = tpu.memref_squeeze %dma_wait3A_471 : memref<1x16xi32, #tpu.memory_space<hbm>> -> memref<16xi32, #tpu.memory_space<hbm>>
      %dma_wait3A_473 = arith.constant 0 : i32
      %dma_wait3A_474 = tpu.memref_slice %arg5[%run_scoped3A, %dma_wait3A_473] : memref<2x16xi32, #tpu.memory_space<hbm>> -> memref<1x16xi32, #tpu.memory_space<hbm>>
      %dma_wait3A_475 = tpu.memref_squeeze %dma_wait3A_474 : memref<1x16xi32, #tpu.memory_space<hbm>> -> memref<16xi32, #tpu.memory_space<hbm>>
      tpu.wait_dma2 semaphore(%run_scoped3A_463 : memref<!tpu.dma_semaphore, #tpu.memory_space<semaphore_mem>>) src(%arg9 : memref<16xi32, #tpu.memory_space<vmem>>) dst(%dma_wait3A_475 : memref<16xi32, #tpu.memory_space<hbm>>)
      tpu.yield
    }) : () -> ()
    %run_scoped3A_462 = arith.constant 1 : i32
    "tpu.region"() ({
      %run_scoped3A_463 = tpu.sem_alloc : memref<!tpu.dma_semaphore, #tpu.memory_space<semaphore_mem>>
      %dma_start3A_464 = arith.constant 0 : i32
      %dma_start3A_465 = tpu.memref_slice %arg5[%run_scoped3A_462, %dma_start3A_464] : memref<2x16xi32, #tpu.memory_space<hbm>> -> memref<1x16xi32, #tpu.memory_space<hbm>>
      %dma_start3A_466 = tpu.memref_squeeze %dma_start3A_465 : memref<1x16xi32, #tpu.memory_space<hbm>> -> memref<16xi32, #tpu.memory_space<hbm>>
      %dma_start3A_467 = arith.constant 0 : i32
      %dma_start3A_468 = tpu.memref_slice %arg5[%run_scoped3A_462, %dma_start3A_467] : memref<2x16xi32, #tpu.memory_space<hbm>> -> memref<1x16xi32, #tpu.memory_space<hbm>>
      %dma_start3A_469 = tpu.memref_squeeze %dma_start3A_468 : memref<1x16xi32, #tpu.memory_space<hbm>> -> memref<16xi32, #tpu.memory_space<hbm>>
      tpu.enqueue_dma source(%arg10 : memref<16xi32, #tpu.memory_space<vmem>>) target(%dma_start3A_469 : memref<16xi32, #tpu.memory_space<hbm>>) target_semaphore(%run_scoped3A_463 : memref<!tpu.dma_semaphore, #tpu.memory_space<semaphore_mem>>)
      %dma_wait3A_470 = arith.constant 0 : i32
      %dma_wait3A_471 = tpu.memref_slice %arg5[%run_scoped3A_462, %dma_wait3A_470] : memref<2x16xi32, #tpu.memory_space<hbm>> -> memref<1x16xi32, #tpu.memory_space<hbm>>
      %dma_wait3A_472 = tpu.memref_squeeze %dma_wait3A_471 : memref<1x16xi32, #tpu.memory_space<hbm>> -> memref<16xi32, #tpu.memory_space<hbm>>
      %dma_wait3A_473 = arith.constant 0 : i32
      %dma_wait3A_474 = tpu.memref_slice %arg5[%run_scoped3A_462, %dma_wait3A_473] : memref<2x16xi32, #tpu.memory_space<hbm>> -> memref<1x16xi32, #tpu.memory_space<hbm>>
      %dma_wait3A_475 = tpu.memref_squeeze %dma_wait3A_474 : memref<1x16xi32, #tpu.memory_space<hbm>> -> memref<16xi32, #tpu.memory_space<hbm>>
      tpu.wait_dma2 semaphore(%run_scoped3A_463 : memref<!tpu.dma_semaphore, #tpu.memory_space<semaphore_mem>>) src(%arg10 : memref<16xi32, #tpu.memory_space<vmem>>) dst(%dma_wait3A_475 : memref<16xi32, #tpu.memory_space<hbm>>)
      tpu.yield
    }) : () -> ()
    return
  }
}

module attributes {stable_mosaic.version = 14 : i64} {
  func.func @_extract(%arg0: memref<2x16xi32, #tpu.memory_space<smem>>, %arg1: memref<181x360x512xf32, #tpu.memory_space<any>>, %arg2: memref<91x180x512xf32, #tpu.memory_space<any>>, %arg3: memref<181x360xf32, #tpu.memory_space<vmem>>, %arg4: memref<91x180xf32, #tpu.memory_space<vmem>>, %arg5: memref<181x360x128xf32, #tpu.memory_space<vmem>>, %arg6: memref<91x180x128xf32, #tpu.memory_space<vmem>>, %arg7: memref<!tpu.dma_semaphore, #tpu.memory_space<semaphore_mem>>, %arg8: memref<!tpu.dma_semaphore, #tpu.memory_space<semaphore_mem>>) attributes {dimension_semantics = [], scalar_prefetch = 0 : i64, scratch_operands = 4 : i64, tpu.core_type = #tpu.core_type<tc>} {
    %get3A = arith.constant 0 : index
    %get3A_0 = arith.constant 0 : index
    %get3A_1 = memref.load %arg0[%get3A, %get3A_0] : memref<2x16xi32, #tpu.memory_space<smem>>
    %get3A_2 = arith.constant 1 : index
    %get3A_3 = arith.constant 0 : index
    %get3A_4 = memref.load %arg0[%get3A_2, %get3A_3] : memref<2x16xi32, #tpu.memory_space<smem>>
    %jit3A = arith.constant 128 : i32
    %div3A = arith.divsi %get3A_1, %jit3A : i32
    %sign3A = arith.constant 0 : i32
    %sign3A_5 = arith.cmpi sgt, %get3A_1, %sign3A : i32
    %sign3A_6 = arith.extui %sign3A_5 : i1 to i32
    %sign3A_7 = arith.constant 0 : i32
    %sign3A_8 = arith.cmpi slt, %get3A_1, %sign3A_7 : i32
    %sign3A_9 = arith.extui %sign3A_8 : i1 to i32
    %sign3A_10 = arith.subi %sign3A_6, %sign3A_9 : i32
    %sign3A_11 = arith.constant 0 : i32
    %sign3A_12 = arith.cmpi sgt, %jit3A, %sign3A_11 : i32
    %sign3A_13 = arith.extui %sign3A_12 : i1 to i32
    %sign3A_14 = arith.constant 0 : i32
    %sign3A_15 = arith.cmpi slt, %jit3A, %sign3A_14 : i32
    %sign3A_16 = arith.extui %sign3A_15 : i1 to i32
    %sign3A_17 = arith.subi %sign3A_13, %sign3A_16 : i32
    %ne3A = arith.cmpi ne, %sign3A_10, %sign3A_17 : i32
    %rem3A = arith.remsi %get3A_1, %jit3A : i32
    %ne3A_18 = arith.constant 0 : i32
    %ne3A_19 = arith.cmpi ne, %rem3A, %ne3A_18 : i32
    %and3A = arith.andi %ne3A, %ne3A_19 : i1
    %sub3A = arith.constant 1 : i32
    %sub3A_20 = arith.subi %div3A, %sub3A : i32
    %select_n3A = arith.select %and3A, %sub3A_20, %div3A : i32
    %eq3A = arith.constant 0 : i32
    %eq3A_21 = arith.cmpi eq, %select_n3A, %eq3A : i32
    %convert_element_type3A = arith.extui %eq3A_21 : i1 to i32
    %cond3A = arith.constant 0 : i32
    %cond3A_22 = arith.cmpi ne, %convert_element_type3A, %cond3A : i32
    scf.if %cond3A_22 {
      %dma_start3A = arith.constant 0 : i32
      %dma_start3A_293 = arith.constant 0 : i32
      %dma_start3A_294 = arith.constant 0 : i32
      %dma_start3A_295 = tpu.memref_slice %arg1[%dma_start3A, %dma_start3A_293, %dma_start3A_294] : memref<181x360x512xf32, #tpu.memory_space<any>> -> memref<181x360x128xf32, #tpu.memory_space<any>>
      tpu.enqueue_dma source(%dma_start3A_295 : memref<181x360x128xf32, #tpu.memory_space<any>>) target(%arg5 : memref<181x360x128xf32, #tpu.memory_space<vmem>>) target_semaphore(%arg7 : memref<!tpu.dma_semaphore, #tpu.memory_space<semaphore_mem>>)
    } else {
    }
    %jit3A_23 = arith.constant 128 : i32
    %div3A_24 = arith.divsi %get3A_4, %jit3A_23 : i32
    %sign3A_25 = arith.constant 0 : i32
    %sign3A_26 = arith.cmpi sgt, %get3A_4, %sign3A_25 : i32
    %sign3A_27 = arith.extui %sign3A_26 : i1 to i32
    %sign3A_28 = arith.constant 0 : i32
    %sign3A_29 = arith.cmpi slt, %get3A_4, %sign3A_28 : i32
    %sign3A_30 = arith.extui %sign3A_29 : i1 to i32
    %sign3A_31 = arith.subi %sign3A_27, %sign3A_30 : i32
    %sign3A_32 = arith.constant 0 : i32
    %sign3A_33 = arith.cmpi sgt, %jit3A_23, %sign3A_32 : i32
    %sign3A_34 = arith.extui %sign3A_33 : i1 to i32
    %sign3A_35 = arith.constant 0 : i32
    %sign3A_36 = arith.cmpi slt, %jit3A_23, %sign3A_35 : i32
    %sign3A_37 = arith.extui %sign3A_36 : i1 to i32
    %sign3A_38 = arith.subi %sign3A_34, %sign3A_37 : i32
    %ne3A_39 = arith.cmpi ne, %sign3A_31, %sign3A_38 : i32
    %rem3A_40 = arith.remsi %get3A_4, %jit3A_23 : i32
    %ne3A_41 = arith.constant 0 : i32
    %ne3A_42 = arith.cmpi ne, %rem3A_40, %ne3A_41 : i32
    %and3A_43 = arith.andi %ne3A_39, %ne3A_42 : i1
    %sub3A_44 = arith.constant 1 : i32
    %sub3A_45 = arith.subi %div3A_24, %sub3A_44 : i32
    %select_n3A_46 = arith.select %and3A_43, %sub3A_45, %div3A_24 : i32
    %eq3A_47 = arith.constant 0 : i32
    %eq3A_48 = arith.cmpi eq, %select_n3A_46, %eq3A_47 : i32
    %convert_element_type3A_49 = arith.extui %eq3A_48 : i1 to i32
    %cond3A_50 = arith.constant 0 : i32
    %cond3A_51 = arith.cmpi ne, %convert_element_type3A_49, %cond3A_50 : i32
    scf.if %cond3A_51 {
      %dma_start3A = arith.constant 0 : i32
      %dma_start3A_293 = arith.constant 0 : i32
      %dma_start3A_294 = arith.constant 0 : i32
      %dma_start3A_295 = tpu.memref_slice %arg2[%dma_start3A, %dma_start3A_293, %dma_start3A_294] : memref<91x180x512xf32, #tpu.memory_space<any>> -> memref<91x180x128xf32, #tpu.memory_space<any>>
      tpu.enqueue_dma source(%dma_start3A_295 : memref<91x180x128xf32, #tpu.memory_space<any>>) target(%arg6 : memref<91x180x128xf32, #tpu.memory_space<vmem>>) target_semaphore(%arg8 : memref<!tpu.dma_semaphore, #tpu.memory_space<semaphore_mem>>)
    } else {
    }
    %jit3A_52 = arith.constant 128 : i32
    %div3A_53 = arith.divsi %get3A_1, %jit3A_52 : i32
    %sign3A_54 = arith.constant 0 : i32
    %sign3A_55 = arith.cmpi sgt, %get3A_1, %sign3A_54 : i32
    %sign3A_56 = arith.extui %sign3A_55 : i1 to i32
    %sign3A_57 = arith.constant 0 : i32
    %sign3A_58 = arith.cmpi slt, %get3A_1, %sign3A_57 : i32
    %sign3A_59 = arith.extui %sign3A_58 : i1 to i32
    %sign3A_60 = arith.subi %sign3A_56, %sign3A_59 : i32
    %sign3A_61 = arith.constant 0 : i32
    %sign3A_62 = arith.cmpi sgt, %jit3A_52, %sign3A_61 : i32
    %sign3A_63 = arith.extui %sign3A_62 : i1 to i32
    %sign3A_64 = arith.constant 0 : i32
    %sign3A_65 = arith.cmpi slt, %jit3A_52, %sign3A_64 : i32
    %sign3A_66 = arith.extui %sign3A_65 : i1 to i32
    %sign3A_67 = arith.subi %sign3A_63, %sign3A_66 : i32
    %ne3A_68 = arith.cmpi ne, %sign3A_60, %sign3A_67 : i32
    %rem3A_69 = arith.remsi %get3A_1, %jit3A_52 : i32
    %ne3A_70 = arith.constant 0 : i32
    %ne3A_71 = arith.cmpi ne, %rem3A_69, %ne3A_70 : i32
    %and3A_72 = arith.andi %ne3A_68, %ne3A_71 : i1
    %sub3A_73 = arith.constant 1 : i32
    %sub3A_74 = arith.subi %div3A_53, %sub3A_73 : i32
    %select_n3A_75 = arith.select %and3A_72, %sub3A_74, %div3A_53 : i32
    %eq3A_76 = arith.constant 1 : i32
    %eq3A_77 = arith.cmpi eq, %select_n3A_75, %eq3A_76 : i32
    %convert_element_type3A_78 = arith.extui %eq3A_77 : i1 to i32
    %cond3A_79 = arith.constant 0 : i32
    %cond3A_80 = arith.cmpi ne, %convert_element_type3A_78, %cond3A_79 : i32
    scf.if %cond3A_80 {
      %dma_start3A = arith.constant 0 : i32
      %dma_start3A_293 = arith.constant 0 : i32
      %dma_start3A_294 = arith.constant 128 : i32
      %dma_start3A_295 = tpu.memref_slice %arg1[%dma_start3A, %dma_start3A_293, %dma_start3A_294] : memref<181x360x512xf32, #tpu.memory_space<any>> -> memref<181x360x128xf32, #tpu.memory_space<any>>
      tpu.enqueue_dma source(%dma_start3A_295 : memref<181x360x128xf32, #tpu.memory_space<any>>) target(%arg5 : memref<181x360x128xf32, #tpu.memory_space<vmem>>) target_semaphore(%arg7 : memref<!tpu.dma_semaphore, #tpu.memory_space<semaphore_mem>>)
    } else {
    }
    %jit3A_81 = arith.constant 128 : i32
    %div3A_82 = arith.divsi %get3A_4, %jit3A_81 : i32
    %sign3A_83 = arith.constant 0 : i32
    %sign3A_84 = arith.cmpi sgt, %get3A_4, %sign3A_83 : i32
    %sign3A_85 = arith.extui %sign3A_84 : i1 to i32
    %sign3A_86 = arith.constant 0 : i32
    %sign3A_87 = arith.cmpi slt, %get3A_4, %sign3A_86 : i32
    %sign3A_88 = arith.extui %sign3A_87 : i1 to i32
    %sign3A_89 = arith.subi %sign3A_85, %sign3A_88 : i32
    %sign3A_90 = arith.constant 0 : i32
    %sign3A_91 = arith.cmpi sgt, %jit3A_81, %sign3A_90 : i32
    %sign3A_92 = arith.extui %sign3A_91 : i1 to i32
    %sign3A_93 = arith.constant 0 : i32
    %sign3A_94 = arith.cmpi slt, %jit3A_81, %sign3A_93 : i32
    %sign3A_95 = arith.extui %sign3A_94 : i1 to i32
    %sign3A_96 = arith.subi %sign3A_92, %sign3A_95 : i32
    %ne3A_97 = arith.cmpi ne, %sign3A_89, %sign3A_96 : i32
    %rem3A_98 = arith.remsi %get3A_4, %jit3A_81 : i32
    %ne3A_99 = arith.constant 0 : i32
    %ne3A_100 = arith.cmpi ne, %rem3A_98, %ne3A_99 : i32
    %and3A_101 = arith.andi %ne3A_97, %ne3A_100 : i1
    %sub3A_102 = arith.constant 1 : i32
    %sub3A_103 = arith.subi %div3A_82, %sub3A_102 : i32
    %select_n3A_104 = arith.select %and3A_101, %sub3A_103, %div3A_82 : i32
    %eq3A_105 = arith.constant 1 : i32
    %eq3A_106 = arith.cmpi eq, %select_n3A_104, %eq3A_105 : i32
    %convert_element_type3A_107 = arith.extui %eq3A_106 : i1 to i32
    %cond3A_108 = arith.constant 0 : i32
    %cond3A_109 = arith.cmpi ne, %convert_element_type3A_107, %cond3A_108 : i32
    scf.if %cond3A_109 {
      %dma_start3A = arith.constant 0 : i32
      %dma_start3A_293 = arith.constant 0 : i32
      %dma_start3A_294 = arith.constant 128 : i32
      %dma_start3A_295 = tpu.memref_slice %arg2[%dma_start3A, %dma_start3A_293, %dma_start3A_294] : memref<91x180x512xf32, #tpu.memory_space<any>> -> memref<91x180x128xf32, #tpu.memory_space<any>>
      tpu.enqueue_dma source(%dma_start3A_295 : memref<91x180x128xf32, #tpu.memory_space<any>>) target(%arg6 : memref<91x180x128xf32, #tpu.memory_space<vmem>>) target_semaphore(%arg8 : memref<!tpu.dma_semaphore, #tpu.memory_space<semaphore_mem>>)
    } else {
    }
    %jit3A_110 = arith.constant 128 : i32
    %div3A_111 = arith.divsi %get3A_1, %jit3A_110 : i32
    %sign3A_112 = arith.constant 0 : i32
    %sign3A_113 = arith.cmpi sgt, %get3A_1, %sign3A_112 : i32
    %sign3A_114 = arith.extui %sign3A_113 : i1 to i32
    %sign3A_115 = arith.constant 0 : i32
    %sign3A_116 = arith.cmpi slt, %get3A_1, %sign3A_115 : i32
    %sign3A_117 = arith.extui %sign3A_116 : i1 to i32
    %sign3A_118 = arith.subi %sign3A_114, %sign3A_117 : i32
    %sign3A_119 = arith.constant 0 : i32
    %sign3A_120 = arith.cmpi sgt, %jit3A_110, %sign3A_119 : i32
    %sign3A_121 = arith.extui %sign3A_120 : i1 to i32
    %sign3A_122 = arith.constant 0 : i32
    %sign3A_123 = arith.cmpi slt, %jit3A_110, %sign3A_122 : i32
    %sign3A_124 = arith.extui %sign3A_123 : i1 to i32
    %sign3A_125 = arith.subi %sign3A_121, %sign3A_124 : i32
    %ne3A_126 = arith.cmpi ne, %sign3A_118, %sign3A_125 : i32
    %rem3A_127 = arith.remsi %get3A_1, %jit3A_110 : i32
    %ne3A_128 = arith.constant 0 : i32
    %ne3A_129 = arith.cmpi ne, %rem3A_127, %ne3A_128 : i32
    %and3A_130 = arith.andi %ne3A_126, %ne3A_129 : i1
    %sub3A_131 = arith.constant 1 : i32
    %sub3A_132 = arith.subi %div3A_111, %sub3A_131 : i32
    %select_n3A_133 = arith.select %and3A_130, %sub3A_132, %div3A_111 : i32
    %eq3A_134 = arith.constant 2 : i32
    %eq3A_135 = arith.cmpi eq, %select_n3A_133, %eq3A_134 : i32
    %convert_element_type3A_136 = arith.extui %eq3A_135 : i1 to i32
    %cond3A_137 = arith.constant 0 : i32
    %cond3A_138 = arith.cmpi ne, %convert_element_type3A_136, %cond3A_137 : i32
    scf.if %cond3A_138 {
      %dma_start3A = arith.constant 0 : i32
      %dma_start3A_293 = arith.constant 0 : i32
      %dma_start3A_294 = arith.constant 256 : i32
      %dma_start3A_295 = tpu.memref_slice %arg1[%dma_start3A, %dma_start3A_293, %dma_start3A_294] : memref<181x360x512xf32, #tpu.memory_space<any>> -> memref<181x360x128xf32, #tpu.memory_space<any>>
      tpu.enqueue_dma source(%dma_start3A_295 : memref<181x360x128xf32, #tpu.memory_space<any>>) target(%arg5 : memref<181x360x128xf32, #tpu.memory_space<vmem>>) target_semaphore(%arg7 : memref<!tpu.dma_semaphore, #tpu.memory_space<semaphore_mem>>)
    } else {
    }
    %jit3A_139 = arith.constant 128 : i32
    %div3A_140 = arith.divsi %get3A_4, %jit3A_139 : i32
    %sign3A_141 = arith.constant 0 : i32
    %sign3A_142 = arith.cmpi sgt, %get3A_4, %sign3A_141 : i32
    %sign3A_143 = arith.extui %sign3A_142 : i1 to i32
    %sign3A_144 = arith.constant 0 : i32
    %sign3A_145 = arith.cmpi slt, %get3A_4, %sign3A_144 : i32
    %sign3A_146 = arith.extui %sign3A_145 : i1 to i32
    %sign3A_147 = arith.subi %sign3A_143, %sign3A_146 : i32
    %sign3A_148 = arith.constant 0 : i32
    %sign3A_149 = arith.cmpi sgt, %jit3A_139, %sign3A_148 : i32
    %sign3A_150 = arith.extui %sign3A_149 : i1 to i32
    %sign3A_151 = arith.constant 0 : i32
    %sign3A_152 = arith.cmpi slt, %jit3A_139, %sign3A_151 : i32
    %sign3A_153 = arith.extui %sign3A_152 : i1 to i32
    %sign3A_154 = arith.subi %sign3A_150, %sign3A_153 : i32
    %ne3A_155 = arith.cmpi ne, %sign3A_147, %sign3A_154 : i32
    %rem3A_156 = arith.remsi %get3A_4, %jit3A_139 : i32
    %ne3A_157 = arith.constant 0 : i32
    %ne3A_158 = arith.cmpi ne, %rem3A_156, %ne3A_157 : i32
    %and3A_159 = arith.andi %ne3A_155, %ne3A_158 : i1
    %sub3A_160 = arith.constant 1 : i32
    %sub3A_161 = arith.subi %div3A_140, %sub3A_160 : i32
    %select_n3A_162 = arith.select %and3A_159, %sub3A_161, %div3A_140 : i32
    %eq3A_163 = arith.constant 2 : i32
    %eq3A_164 = arith.cmpi eq, %select_n3A_162, %eq3A_163 : i32
    %convert_element_type3A_165 = arith.extui %eq3A_164 : i1 to i32
    %cond3A_166 = arith.constant 0 : i32
    %cond3A_167 = arith.cmpi ne, %convert_element_type3A_165, %cond3A_166 : i32
    scf.if %cond3A_167 {
      %dma_start3A = arith.constant 0 : i32
      %dma_start3A_293 = arith.constant 0 : i32
      %dma_start3A_294 = arith.constant 256 : i32
      %dma_start3A_295 = tpu.memref_slice %arg2[%dma_start3A, %dma_start3A_293, %dma_start3A_294] : memref<91x180x512xf32, #tpu.memory_space<any>> -> memref<91x180x128xf32, #tpu.memory_space<any>>
      tpu.enqueue_dma source(%dma_start3A_295 : memref<91x180x128xf32, #tpu.memory_space<any>>) target(%arg6 : memref<91x180x128xf32, #tpu.memory_space<vmem>>) target_semaphore(%arg8 : memref<!tpu.dma_semaphore, #tpu.memory_space<semaphore_mem>>)
    } else {
    }
    %jit3A_168 = arith.constant 128 : i32
    %div3A_169 = arith.divsi %get3A_1, %jit3A_168 : i32
    %sign3A_170 = arith.constant 0 : i32
    %sign3A_171 = arith.cmpi sgt, %get3A_1, %sign3A_170 : i32
    %sign3A_172 = arith.extui %sign3A_171 : i1 to i32
    %sign3A_173 = arith.constant 0 : i32
    %sign3A_174 = arith.cmpi slt, %get3A_1, %sign3A_173 : i32
    %sign3A_175 = arith.extui %sign3A_174 : i1 to i32
    %sign3A_176 = arith.subi %sign3A_172, %sign3A_175 : i32
    %sign3A_177 = arith.constant 0 : i32
    %sign3A_178 = arith.cmpi sgt, %jit3A_168, %sign3A_177 : i32
    %sign3A_179 = arith.extui %sign3A_178 : i1 to i32
    %sign3A_180 = arith.constant 0 : i32
    %sign3A_181 = arith.cmpi slt, %jit3A_168, %sign3A_180 : i32
    %sign3A_182 = arith.extui %sign3A_181 : i1 to i32
    %sign3A_183 = arith.subi %sign3A_179, %sign3A_182 : i32
    %ne3A_184 = arith.cmpi ne, %sign3A_176, %sign3A_183 : i32
    %rem3A_185 = arith.remsi %get3A_1, %jit3A_168 : i32
    %ne3A_186 = arith.constant 0 : i32
    %ne3A_187 = arith.cmpi ne, %rem3A_185, %ne3A_186 : i32
    %and3A_188 = arith.andi %ne3A_184, %ne3A_187 : i1
    %sub3A_189 = arith.constant 1 : i32
    %sub3A_190 = arith.subi %div3A_169, %sub3A_189 : i32
    %select_n3A_191 = arith.select %and3A_188, %sub3A_190, %div3A_169 : i32
    %eq3A_192 = arith.constant 3 : i32
    %eq3A_193 = arith.cmpi eq, %select_n3A_191, %eq3A_192 : i32
    %convert_element_type3A_194 = arith.extui %eq3A_193 : i1 to i32
    %cond3A_195 = arith.constant 0 : i32
    %cond3A_196 = arith.cmpi ne, %convert_element_type3A_194, %cond3A_195 : i32
    scf.if %cond3A_196 {
      %dma_start3A = arith.constant 0 : i32
      %dma_start3A_293 = arith.constant 0 : i32
      %dma_start3A_294 = arith.constant 384 : i32
      %dma_start3A_295 = tpu.memref_slice %arg1[%dma_start3A, %dma_start3A_293, %dma_start3A_294] : memref<181x360x512xf32, #tpu.memory_space<any>> -> memref<181x360x128xf32, #tpu.memory_space<any>>
      tpu.enqueue_dma source(%dma_start3A_295 : memref<181x360x128xf32, #tpu.memory_space<any>>) target(%arg5 : memref<181x360x128xf32, #tpu.memory_space<vmem>>) target_semaphore(%arg7 : memref<!tpu.dma_semaphore, #tpu.memory_space<semaphore_mem>>)
    } else {
    }
    %jit3A_197 = arith.constant 128 : i32
    %div3A_198 = arith.divsi %get3A_4, %jit3A_197 : i32
    %sign3A_199 = arith.constant 0 : i32
    %sign3A_200 = arith.cmpi sgt, %get3A_4, %sign3A_199 : i32
    %sign3A_201 = arith.extui %sign3A_200 : i1 to i32
    %sign3A_202 = arith.constant 0 : i32
    %sign3A_203 = arith.cmpi slt, %get3A_4, %sign3A_202 : i32
    %sign3A_204 = arith.extui %sign3A_203 : i1 to i32
    %sign3A_205 = arith.subi %sign3A_201, %sign3A_204 : i32
    %sign3A_206 = arith.constant 0 : i32
    %sign3A_207 = arith.cmpi sgt, %jit3A_197, %sign3A_206 : i32
    %sign3A_208 = arith.extui %sign3A_207 : i1 to i32
    %sign3A_209 = arith.constant 0 : i32
    %sign3A_210 = arith.cmpi slt, %jit3A_197, %sign3A_209 : i32
    %sign3A_211 = arith.extui %sign3A_210 : i1 to i32
    %sign3A_212 = arith.subi %sign3A_208, %sign3A_211 : i32
    %ne3A_213 = arith.cmpi ne, %sign3A_205, %sign3A_212 : i32
    %rem3A_214 = arith.remsi %get3A_4, %jit3A_197 : i32
    %ne3A_215 = arith.constant 0 : i32
    %ne3A_216 = arith.cmpi ne, %rem3A_214, %ne3A_215 : i32
    %and3A_217 = arith.andi %ne3A_213, %ne3A_216 : i1
    %sub3A_218 = arith.constant 1 : i32
    %sub3A_219 = arith.subi %div3A_198, %sub3A_218 : i32
    %select_n3A_220 = arith.select %and3A_217, %sub3A_219, %div3A_198 : i32
    %eq3A_221 = arith.constant 3 : i32
    %eq3A_222 = arith.cmpi eq, %select_n3A_220, %eq3A_221 : i32
    %convert_element_type3A_223 = arith.extui %eq3A_222 : i1 to i32
    %cond3A_224 = arith.constant 0 : i32
    %cond3A_225 = arith.cmpi ne, %convert_element_type3A_223, %cond3A_224 : i32
    scf.if %cond3A_225 {
      %dma_start3A = arith.constant 0 : i32
      %dma_start3A_293 = arith.constant 0 : i32
      %dma_start3A_294 = arith.constant 384 : i32
      %dma_start3A_295 = tpu.memref_slice %arg2[%dma_start3A, %dma_start3A_293, %dma_start3A_294] : memref<91x180x512xf32, #tpu.memory_space<any>> -> memref<91x180x128xf32, #tpu.memory_space<any>>
      tpu.enqueue_dma source(%dma_start3A_295 : memref<91x180x128xf32, #tpu.memory_space<any>>) target(%arg6 : memref<91x180x128xf32, #tpu.memory_space<vmem>>) target_semaphore(%arg8 : memref<!tpu.dma_semaphore, #tpu.memory_space<semaphore_mem>>)
    } else {
    }
    %jit3A_226 = arith.constant 128 : i32
    %eq3A_227 = arith.constant 0 : i32
    %eq3A_228 = arith.cmpi eq, %jit3A_226, %eq3A_227 : i32
    %jit3A_229 = arith.constant 1 : i32
    %select_n3A_230 = arith.select %eq3A_228, %jit3A_229, %jit3A_226 : i32
    %rem3A_231 = arith.remsi %get3A_1, %select_n3A_230 : i32
    %ne3A_232 = arith.constant 0 : i32
    %ne3A_233 = arith.cmpi ne, %rem3A_231, %ne3A_232 : i32
    %lt3A = arith.constant 0 : i32
    %lt3A_234 = arith.cmpi slt, %rem3A_231, %lt3A : i32
    %lt3A_235 = arith.constant 0 : i32
    %lt3A_236 = arith.cmpi slt, %select_n3A_230, %lt3A_235 : i32
    %ne3A_237 = arith.xori %lt3A_234, %lt3A_236 : i1
    %and3A_238 = arith.andi %ne3A_237, %ne3A_233 : i1
    %add3A = arith.addi %rem3A_231, %select_n3A_230 : i32
    %select_n3A_239 = arith.select %and3A_238, %add3A, %rem3A_231 : i32
    %jit3A_240 = arith.constant 128 : i32
    %eq3A_241 = arith.constant 0 : i32
    %eq3A_242 = arith.cmpi eq, %jit3A_240, %eq3A_241 : i32
    %jit3A_243 = arith.constant 1 : i32
    %select_n3A_244 = arith.select %eq3A_242, %jit3A_243, %jit3A_240 : i32
    %rem3A_245 = arith.remsi %get3A_4, %select_n3A_244 : i32
    %ne3A_246 = arith.constant 0 : i32
    %ne3A_247 = arith.cmpi ne, %rem3A_245, %ne3A_246 : i32
    %lt3A_248 = arith.constant 0 : i32
    %lt3A_249 = arith.cmpi slt, %rem3A_245, %lt3A_248 : i32
    %lt3A_250 = arith.constant 0 : i32
    %lt3A_251 = arith.cmpi slt, %select_n3A_244, %lt3A_250 : i32
    %ne3A_252 = arith.xori %lt3A_249, %lt3A_251 : i1
    %and3A_253 = arith.andi %ne3A_252, %ne3A_247 : i1
    %add3A_254 = arith.addi %rem3A_245, %select_n3A_244 : i32
    %select_n3A_255 = arith.select %and3A_253, %add3A_254, %rem3A_245 : i32
    %dma_wait3A = arith.constant 0 : i32
    %dma_wait3A_256 = arith.constant 0 : i32
    %dma_wait3A_257 = arith.constant 0 : i32
    %dma_wait3A_258 = tpu.memref_slice %arg1[%dma_wait3A, %dma_wait3A_256, %dma_wait3A_257] : memref<181x360x512xf32, #tpu.memory_space<any>> -> memref<181x360x128xf32, #tpu.memory_space<any>>
    tpu.wait_dma2 semaphore(%arg7 : memref<!tpu.dma_semaphore, #tpu.memory_space<semaphore_mem>>) src(%dma_wait3A_258 : memref<181x360x128xf32, #tpu.memory_space<any>>) dst(%arg5 : memref<181x360x128xf32, #tpu.memory_space<vmem>>)
    %get3A_259 = arith.constant 0 : index
    %get3A_260 = arith.constant 0 : index
    %get3A_261 = arith.constant 0 : index
    %get3A_262 = vector.load %arg5[%get3A_259, %get3A_260, %get3A_261] : memref<181x360x128xf32, #tpu.memory_space<vmem>>, vector<181x360x128xf32>
    %reshape3A = vector.shape_cast %get3A_262 : vector<181x360x128xf32> to vector<65160x128xf32>
    %iota3A = tpu.iota {dimensions = array<i32: 1>} : vector<1x128xi32>
    %iota3A_263 = vector.shape_cast %iota3A : vector<1x128xi32> to vector<128xi32>
    %eq3A_264 = vector.broadcast %select_n3A_239 : i32 to vector<128xi32>
    %eq3A_265 = arith.cmpi eq, %iota3A_263, %eq3A_264 : vector<128xi32>
    %convert_element_type3A_266 = arith.extui %eq3A_265 : vector<128xi1> to vector<128xi32>
    %convert_element_type3A_267 = arith.sitofp %convert_element_type3A_266 : vector<128xi32> to vector<128xf32>
    %dot_general3A = arith.constant dense<0.000000e+00> : vector<65160xf32>
    %dot_general3A_268 = tpu.matmul %reshape3A, %convert_element_type3A_267, %dot_general3A {dimension_numbers = #tpu.dot_dimension_numbers<[1], [0], [0], [], [0, 0], [], []>, transpose_lhs_hint = false} : vector<65160x128xf32>, vector<128xf32>, vector<65160xf32> -> vector<65160xf32>
    %reshape3A_269 = vector.shape_cast %dot_general3A_268 : vector<65160xf32> to vector<181x360xf32>
    %swap3A = arith.constant 0 : index
    %swap3A_270 = arith.constant 0 : index
    %swap3A_271 = vector.load %arg3[%swap3A, %swap3A_270] : memref<181x360xf32, #tpu.memory_space<vmem>>, vector<181x360xf32>
    tpu.vector_store %arg3[%swap3A, %swap3A_270], %reshape3A_269 {strides = array<i32>} : memref<181x360xf32, #tpu.memory_space<vmem>>, vector<181x360xf32>,
    %dma_wait3A_272 = arith.constant 0 : i32
    %dma_wait3A_273 = arith.constant 0 : i32
    %dma_wait3A_274 = arith.constant 0 : i32
    %dma_wait3A_275 = tpu.memref_slice %arg2[%dma_wait3A_272, %dma_wait3A_273, %dma_wait3A_274] : memref<91x180x512xf32, #tpu.memory_space<any>> -> memref<91x180x128xf32, #tpu.memory_space<any>>
    tpu.wait_dma2 semaphore(%arg8 : memref<!tpu.dma_semaphore, #tpu.memory_space<semaphore_mem>>) src(%dma_wait3A_275 : memref<91x180x128xf32, #tpu.memory_space<any>>) dst(%arg6 : memref<91x180x128xf32, #tpu.memory_space<vmem>>)
    %get3A_276 = arith.constant 0 : index
    %get3A_277 = arith.constant 0 : index
    %get3A_278 = arith.constant 0 : index
    %get3A_279 = vector.load %arg6[%get3A_276, %get3A_277, %get3A_278] : memref<91x180x128xf32, #tpu.memory_space<vmem>>, vector<91x180x128xf32>
    %reshape3A_280 = vector.shape_cast %get3A_279 : vector<91x180x128xf32> to vector<16380x128xf32>
    %iota3A_281 = tpu.iota {dimensions = array<i32: 1>} : vector<1x128xi32>
    %iota3A_282 = vector.shape_cast %iota3A_281 : vector<1x128xi32> to vector<128xi32>
    %eq3A_283 = vector.broadcast %select_n3A_255 : i32 to vector<128xi32>
    %eq3A_284 = arith.cmpi eq, %iota3A_282, %eq3A_283 : vector<128xi32>
    %convert_element_type3A_285 = arith.extui %eq3A_284 : vector<128xi1> to vector<128xi32>
    %convert_element_type3A_286 = arith.sitofp %convert_element_type3A_285 : vector<128xi32> to vector<128xf32>
    %dot_general3A_287 = arith.constant dense<0.000000e+00> : vector<16380xf32>
    %dot_general3A_288 = tpu.matmul %reshape3A_280, %convert_element_type3A_286, %dot_general3A_287 {dimension_numbers = #tpu.dot_dimension_numbers<[1], [0], [0], [], [0, 0], [], []>, transpose_lhs_hint = false} : vector<16380x128xf32>, vector<128xf32>, vector<16380xf32> -> vector<16380xf32>
    %reshape3A_289 = vector.shape_cast %dot_general3A_288 : vector<16380xf32> to vector<91x180xf32>
    %swap3A_290 = arith.constant 0 : index
    %swap3A_291 = arith.constant 0 : index
    %swap3A_292 = vector.load %arg4[%swap3A_290, %swap3A_291] : memref<91x180xf32, #tpu.memory_space<vmem>>, vector<91x180xf32>
    tpu.vector_store %arg4[%swap3A_290, %swap3A_291], %reshape3A_289 {strides = array<i32>} : memref<91x180xf32, #tpu.memory_space<vmem>>, vector<91x180xf32>,
    return
  }
}

</mosaic_0001>

<sc_bundles>
// kernel: kernel.4.cloned.1.call-start
scs
__scs_entry_jumppad:
0x0: {  	(pc) =	sbr.rel $0x88, $3  }
0x1: {  	(tag) =	ssettag $0x0;
	lr =	simm.s32 $0x1  }
0x2: {  	[smem:$0x3F9C] =	sst lr;
	_ =	strace $0xD0000000  }
0x3: {  	_ = 	snop  }
0x4: {  	_ = 	snop  }
0x5: {  	_ = 	snop  }
0x6: {  	_ = 	snop  }
0x7: {  	_ = 	snop  }
__scs_overlays_trampoline_lowered:
0x8: {  	[smem:$0x3FAB] =	sst s0  }
0x9: {  	[smem:$0x3FAC] =	sst s1  }
0xa: {  	[smem:$0x3FAD] =	sst s2  }
0xb: {  	[smem:$0x3FAE] =	sst s3  }
0xc: {  	[smem:$0x3FAF] =	sst s4  }
0xd: {  	[smem:$0x3FB0] =	sst s5  }
0xe: {  	[smem:$0x3FB1] =	sst s6  }
0xf: {  	[smem:$0x3FB2] =	sst s7  }
0x10: {  	[smem:$0x3FB3] =	sst s8  }
0x11: {  	[smem:$0x3FB4] =	sst s9;
	s0 =	simm.s32 @!p0 $0x0  }
0x12: {  	s1 =	sld [smem:$0x3F9A];
	s0 =	simm.s32 @p0 $0x1  }
0x13: {  	[smem:$0x3FB5] =	sst s0;
	s0 =	simm.s32 @!p1 $0x0  }
0x14: {  	s2 =	sld [smem:$0x3F99];
	s0 =	simm.s32 @p1 $0x1  }
0x15: {  	[smem:$0x3FB6] =	sst s0;
	s0 =	simm.s32 @!p2 $0x0  }
0x16: {  	s3 =	sld [smem:$0x3FDB];
	s0 =	simm.s32 @p2 $0x1  }
0x17: {  	s4 =	simm.s32 $0x1BF5;
	[smem:$0x3FB8] =	sst s0  }
0x18: {  	s0 =	sld [smem:$0x3F9B];
	_ =	swait.ge [sflag:s4], $0x0  }
0x19: {  	s7 =	sld [smem:$0x3F9C]  }
0x1a: {  	s8 =	sadd.s32 $0xFFFFE003, lr  }
0x1b: {  	s9 =	sadd.s32 $0xFFFFFEF7, lr;
	s5 =	simm.s32 $0xFFFFFFFF;
	p2 =	slt.u32 s8, $0xFFFFF086  }
0x1c: {  	p1 =	slt.u32 s9, $0xF7A;
	s5 =	simm.s32 @!p2 $0x0  }
0x1d: {  	s5 =	simm.s32 @p1 $0x1;
	p0 =	seq.s32 s7, s2  }
0x1e: {  	s7 =	smul.u32 @!p0 $0xF7A, s2;
	p2 =	seq.s32 @!p0 s5, $0x0  }
0x1f: {  	s9 =	smul.u32 $0xF7A, s1;
	s8 =	simm.s32 @!p0 $0x1BF5;
	p2 =	por !p2, p0  }
0x20: {  	[sflag:s8] =	ssyncset.s32 @!p0 $0xFFFFF086;
	s6 =	sadd.s32 @!p0 s3, s7;
	s7 =	simm.s32 @!p0 $0x108  }
0x21: {  	s3 =	sadd.s32 s3, s9;
	s6 =	sadd.s32 @!p0 $0x88, s6;
	s7 =	simm.s32 @p2 $0x1082  }
0x22: {  	[simem:s7], [sflag:s8] =	dma.local @!p0 [hbm:s6], $0xF7A  }
0x23: {  	s9 =	sor.u32 $0xD0000000, s2;
	s6 =	simm.s32 $0x108;
	_ =	swait.ge @!p0 [sflag:s8], $0x0  }
0x24: {  	s3 =	sadd.s32 $0x88, s3;
	s6 =	simm.s32 @!p1 $0x1082;
	[sflag:s4] =	ssyncset.s32 $0xFFFFF086  }
0x25: {  	[simem:s6], [sflag:s4] =	dma.local [hbm:s3], $0xF7A  }
0x26: {  	[smem:$0x3F9C] =	sst s1;
	(tag) =	ssettag s2;
	_ =	strace s9  }
0x27: {  	s1 =	sld [smem:$0x3FAC]  }
0x28: {  	s2 =	sld [smem:$0x3FAD]  }
0x29: {  	s4 =	sld [smem:$0x3FAF]  }
0x2a: {  	p0 =	seq.s32 s5, $0x0;
	s5 =	sld [smem:$0x3FB0]  }
0x2b: {  	s6 =	sld [smem:$0x3FB1]  }
0x2c: {  	s7 =	sld [smem:$0x3FB2]  }
0x2d: {  	s3 =	simm.s32 $0x108;
	s8 =	sld [smem:$0x3FB3]  }
0x2e: {  	s3 =	simm.s32 @!p0 $0x1082;
	s9 =	sld [smem:$0x3FB4]  }
0x2f: {  	lr =	sadd.s32 s0, s3;
	s0 =	sld [smem:$0x3FAB]  }
0x30: {  	s3 =	sld [smem:$0x3FAE]  }
0x31: {  	[smem:$0x3FB7] =	sst s10  }
0x32: {  	s10 =	sld [smem:$0x3FB5];
	_ =	sdelay $0x3  }
0x33: {  	p0 =	seq.s32 s10, $0x1;
	s10 =	sld [smem:$0x3FB7];
	_ =	sdelay $0x3  }
0x34: {  	[smem:$0x3FB7] =	sst s10  }
0x35: {  	s10 =	sld [smem:$0x3FB6];
	_ =	sdelay $0x3  }
0x36: {  	p1 =	seq.s32 s10, $0x1;
	s10 =	sld [smem:$0x3FB7];
	_ =	sdelay $0x3  }
0x37: {  	[smem:$0x3FB7] =	sst s10  }
0x38: {  	s10 =	sld [smem:$0x3FB8]  }
0x39: {  	_ = 	snop;
	(pc) =	sbr.ind lr, $3  }
0x3a: {  	_ = 	snop  }
0x3b: {  	_ = 	snop  }
0x3c: {  	p2 =	seq.s32 s10, $0x1;
	s10 =	sld [smem:$0x3FB7]  }
0x3d: {  	_ =	shalt  }
0x3e: {  	_ =	shalt  }
0x3f: {  	_ =	shalt  }
0x40: {  	_ =	shalt  }
0x41: {  	_ =	shalt  }
0x42: {  	_ =	shalt  }
0x43: {  	_ =	shalt  }
0x44: {  	_ =	shalt  }
0x45: {  	_ =	shalt  }
0x46: {  	_ =	shalt  }
0x47: {  	_ =	shalt  }
0x48: {  	_ =	shalt  }
0x49: {  	_ =	shalt  }
0x4a: {  	_ =	shalt  }
0x4b: {  	_ =	shalt  }
0x4c: {  	_ =	shalt  }
0x4d: {  	_ =	shalt  }
0x4e: {  	_ =	shalt  }
0x4f: {  	_ =	shalt  }
0x50: {  	_ =	shalt  }
0x51: {  	_ =	shalt  }
0x52: {  	_ =	shalt  }
0x53: {  	_ =	shalt  }
0x54: {  	_ =	shalt  }
0x55: {  	_ =	shalt  }
0x56: {  	_ =	shalt  }
0x57: {  	_ =	shalt  }
0x58: {  	_ =	shalt  }
0x59: {  	_ =	shalt  }
0x5a: {  	_ =	shalt  }
0x5b: {  	_ =	shalt  }
0x5c: {  	_ =	shalt  }
0x5d: {  	_ =	shalt  }
0x5e: {  	_ =	shalt  }
0x5f: {  	_ =	shalt  }
0x60: {  	_ =	shalt  }
0x61: {  	_ =	shalt  }
0x62: {  	_ =	shalt  }
0x63: {  	_ =	shalt  }
0x64: {  	_ =	shalt  }
0x65: {  	_ =	shalt  }
0x66: {  	_ =	shalt  }
0x67: {  	_ =	shalt  }
0x68: {  	_ =	shalt  }
0x69: {  	_ =	shalt  }
0x6a: {  	_ =	shalt  }
0x6b: {  	_ =	shalt  }
0x6c: {  	_ =	shalt  }
0x6d: {  	_ =	shalt  }
0x6e: {  	_ =	shalt  }
0x6f: {  	_ =	shalt  }
0x70: {  	_ =	shalt  }
0x71: {  	_ =	shalt  }
0x72: {  	_ =	shalt  }
0x73: {  	_ =	shalt  }
0x74: {  	_ =	shalt  }
0x75: {  	_ =	shalt  }
0x76: {  	_ =	shalt  }
0x77: {  	_ =	shalt  }
0x78: {  	_ =	shalt  }
0x79: {  	_ =	shalt  }
0x7a: {  	_ =	shalt  }
0x7b: {  	_ =	shalt  }
0x7c: {  	_ =	shalt  }
0x7d: {  	_ =	shalt  }
0x7e: {  	_ =	shalt  }
0x7f: {  	_ =	shalt  }
0x80: {  	_ =	shalt  }
0x81: {  	_ =	shalt  }
0x82: {  	_ =	shalt  }
0x83: {  	_ =	shalt  }
0x84: {  	_ =	shalt  }
0x85: {  	_ =	shalt  }
0x86: {  	_ =	shalt  }
0x87: {  	_ =	shalt  }
.Lfunc_end0:
.L_simem_size_0:
called_computation_lowered:
.L_overlay_start_0:
0x88: {  	s0 =	sld [smem:$0x3FD9]  }
0x89: {  	s1 =	sld [smem:$0x3FFE];
	_ =	sdelay $0x3  }
0x8a: {  	s0 =	sadd.s32 s1, s0  }
0x8b: {  	[smem:$0x3FC3] =	sst s0  }
0x8c: {  	_ = 	snop  }
0x8d: {  	s0 =	sld [smem:$0x3FD0]  }
0x8e: {  	s14 =	sld [smem:$0x3FC9]  }
0x8f: {  	s2 =	sld [smem:$0x3FC7]  }
0x90: {  	s4 =	simm.s32 $0xA;
	s5 =	simm.s32 $0x10;
	s3 =	sld [smem:$0x3FC5]  }
0x91: {  	[smem:s5], [sflag:s4] =	dma.local [hbm:s0], $0x1  }
0x92: {  	_ =	swait.eq [sflag:s4], $0x1  }
0x93: {  	[sflag:s4] =	ssyncset.done $0x0  }
0x94: {  	[sflag:s4] =	ssyncadd.s32 $0xFFFFFFFF  }
0x95: {  	s15 =	sld [smem:$0x11];
	(tm) =	ssettm $0x1  }
0x96: {  	s16 =	sld [smem:$0x3FFB];
	_ =	sdelay $0x3  }
0x97: {  	_ =	strace s16  }
0x98: {  	s4 =	sld [smem:$0x3FFC];
	_ =	sdelay $0x3  }
0x99: {  	_ =	strace s4  }
0x9a: {  	s4 =	sld [smem:$0x3FFD];
	_ =	sdelay $0x3  }
0x9b: {  	_ =	strace s4  }
0x9c: {  	_ =	strace $0x8FFFFFFF  }
0x9d: {  	s17 =	sld [smem:$0x3FDB];
	_ =	sdelay $0x1  }
0x9e: {  	s18 =	simm.s32 $_scs_section_size  }
0x9f: {  	s6 =	simm.s32 $_size__tile_overlayer_lowered;
	s7 =	simm.s32 $_tile_overlayer_lowered  }
0xa0: {  	s21 =	simm.s32 $0x1BFF;
	s20 =	sshll.u32 s7, $0x1;
	s4 =	sadd.s32 s18, s17  }
0xa1: {  	s8 =	simm.s32 $0x0;
	s19 =	sshll.u32 s6, $0x1;
	s6 =	sadd.s32 s20, s4  }
0xa2: {  	[timem:s8], [sflag:s21] =	dma.local [hbm:s6], s19  }
0xa3: {  	_ =	swait.ge [sflag:s21], s19  }
0xa4: {  	s5 =	ssub.s32 $0x0, s19;
	[sflag:s21] =	ssyncset.done $0x0  }
0xa5: {  	[sflag:s21] =	ssyncadd.s32 s5;
	_ =	sdelay $0x1  }
0xa6: {  	s22 =	simm.s32 $0x1B8B  }
0xa7: {  	_ =	swait.ge [sflag:s22], $0x1  }
0xa8: {  	[sflag:s22] =	ssyncset.done $0x0  }
0xa9: {  	s23 =	simm.s32 $0x1B8E;
	[sflag:s22] =	ssyncadd.s32 $0xFFFFFFFF  }
0xaa: {  	s24 =	simm.s32 $execute0_lowered;
	[smem:$0x3FD2] =	sst s23  }
0xab: {  	s5 =	sshll.u32 s24, $0x1;
	_ =	strace $0x80000046;
	[dreg:$0x1] =	wrdreg $0xFFFFFFFF  }
0xac: {  	s25 =	simm.s32 $_size_execute0_lowered;
	s4 =	sadd.s32 s4, s5;
	[dreg:$0x0] =	wrdreg $0x0  }
0xad: {  	s5 =	sshll.u32 s25, $0x1;
	[dreg:$0x2] =	wrdreg s4  }
0xae: {  	[dreg:$0x3] =	wrdreg s5  }
0xaf: {  	[dreg:$0x4] =	wrdreg $0xC0  }
0xb0: {  	_ =	task [dreg:s8], $0x5FFFF  }
0xb1: {  	[dreg:$0x1] =	wrdreg $0xFFFFFFFF  }
0xb2: {  	[dreg:$0x0] =	wrdreg $0x60  }
0xb3: {  	[dreg:$0x2] =	wrdreg s14  }
0xb4: {  	[dreg:$0x3] =	wrdreg s2  }
0xb5: {  	[dreg:$0x4] =	wrdreg s3  }
0xb6: {  	[dreg:$0x5] =	wrdreg s15  }
0xb7: {  	[dreg:$0x6] =	wrdreg $0x9  }
0xb8: {  	_ =	task.clear_ibuf [dreg:s8], $0x7FFFF;
	_ =	strace $0x90000046  }
0xb9: {  	s26 =	simm.s32 $0x9;
	_ =	strace $0x80000048  }
0xba: {  	_ =	swait.ge [sflag:s26], $0x1  }
0xbb: {  	[sflag:s26] =	ssyncadd.s32 $0xFFFFFFFF  }
0xbc: {  	_ =	strace $0x90000048  }
0xbd: {  	_ =	sfence  }
0xbe: {  	s28 =	sld [smem:$0x0];
	_ =	sdelay $0x1  }
0xbf: {  	s29 =	srdreg.scid  }
0xc0: {  	s30 =	sshll.u32 s29, $0xD;
	s31 =	sshrl.u32 s29, $0x2  }
0xc1: {  	s1 =	sand.u32 $0x1, s29;
	s2 =	sand.u32 $0x4000, s30;
	s0 =	sadd.s32 s31, s28  }
0xc2: {  	s1 =	sor.u32 s2, s1;
	s0 =	sshll.u32 s0, $0x11  }
0xc3: {  	s0 =	sor.u32 s0, s1  }
0xc4: {  	s0 =	sadd.s32 $0x8F2B, s0  }
0xc5: {  	[sflag:s0] =	ssyncadd.remote.s32 $0x1  }
0xc6: {  	_ =	sfence.sel $0xFFFF  }
0xc7: {  	[dreg:$0x0] =	wrdreg $0xFFFFFFFF;
	(pc) =	sbr.abs _section_cstart, $3  }
0xc8: {  	[dreg:$0x1] =	wrdreg $0xFFFFFFFF  }
0xc9: {  	_ =	task.clear_ibuf [dreg:s8], $0x2FFFF;
	_ =	strace $0x9FFFFFFF  }
0xca: {  	(tm) =	ssettm $0x7FFFFFFF  }
0xcb: {  	_ =	shalt  }
tec
execute0_lowered:
.L_overlay_start_1:
0x0: {  	(tag) =	ssettag $0x1  }
0x1: {  	s6 =	stileid.u32  }
0x2: {  	s3 =	rddreg [dreg:$0x0];
	p0 =	sne.s32 s6, $0x0  }
.Ltmp0:
0x3: {  	s5 =	rddreg [dreg:$0x1];
	(pc) =	sbr.rel @p0 .LBB2_2-.Ltmp0, $4  }
0x4: {  	s4 =	rddreg [dreg:$0x2]  }
0x5: {  	s2 =	rddreg [dreg:$0x3];
	s1 =	simm.s32 $0x0  }
0x6: {  	[smem:$0x7FF] =	sst s1  }
0x7: {  	s0 =	rddreg [dreg:$0x4];
	_ =	strace $0x80000047  }
0x8: {  	s6 =	simm.s32 $0x400;
	s25 =	simm.s32 $0x1  }
0x9: {  	[tilespmem:s6], [sflag:$0x1] =	stream.linear.gather [hbm4b:s4+s1], $0x1, $0x38;
	[tilespmem:$0x580] =	vst v63  }
0xa: {  	_ =	swait.ge [sflag:s25], $0x1  }
0xb: {  	[sflag:s25] =	ssyncset.done $0x0  }
0xc: {  	s26 =	simm.s32 $0x2;
	[sflag:s25] =	ssyncadd.s32 $0xFFFFFFFF  }
0xd: {  	v0 =	vld.msk [tilespmem:s6+$0x0], $0xffff;
	[tilespmem:s1], [sflag:$0x2] =	stream.linear.gather [hbm4b:s3+s1], $0x200, $0x38  }
0xe: {  	_ =	swait.ge [sflag:s26], $0x200  }
0xf: {  	[sflag:s26] =	ssyncset.done $0x0  }
0x10: {  	s28 =	simm.s32 $0x200;
	[sflag:s26] =	ssyncadd.s32 $0xFFFFFE00  }
0x11: {  	[tilespmem:s28], [sflag:$0x2] =	stream.linear.gather [hbm4b:s5+s1], $0x200, $0x38;
	[tilespmem:$0x580] =	vst v63  }
0x12: {  	_ =	swait.ge [sflag:s26], $0x200  }
0x13: {  	[sflag:s26] =	ssyncset.done $0x0  }
0x14: {  	[sflag:s26] =	ssyncadd.s32 $0xFFFFFE00  }
0x15: {  	v1 =	vld [tilespmem:$0x0]  }
0x16: {  	v2 =	vld [tilespmem:$0x10]  }
0x17: {  	v3 =	vld [tilespmem:$0x20]  }
0x18: {  	v4 =	vld [tilespmem:$0x30]  }
0x19: {  	v5 =	vld [tilespmem:$0x40]  }
0x1a: {  	v6 =	vld [tilespmem:$0x50]  }
0x1b: {  	v34 =	vld [tilespmem:$0x60];
	vm0 =	vle.f32 v1, v0;
	vm1 =	vle.f32 v2, v0  }
0x1c: {  	v36 =	vld [tilespmem:$0x70];
	vm15 =	vle.f32 v3, v0;
	v35 =	vmpcnt.ones.xlane vm0;
	v7 =	vmpcnt.ones.xlane vm1  }
0x1d: {  	v37 =	vld [tilespmem:$0x80];
	vm4 =	vle.f32 v4, v0;
	v8 =	vmpcnt.ones.xlane vm15  }
0x1e: {  	v39 =	vld [tilespmem:$0x90];
	vm5 =	vle.f32 v5, v0;
	v38 =	vmpcnt.ones.xlane vm4;
	v2 =	vadd.s32 v35, v7  }
0x1f: {  	v41 =	vld [tilespmem:$0xA0];
	vm6 =	vle.f32 v6, v0;
	v40 =	vmpcnt.ones.xlane vm5;
	v2 =	vadd.s32 v8, v2  }
0x20: {  	v43 =	vld [tilespmem:$0xB0];
	vm7 =	vle.f32 v34, v0;
	v42 =	vmpcnt.ones.xlane vm6;
	v2 =	vadd.s32 v38, v2  }
0x21: {  	v45 =	vld [tilespmem:$0xC0];
	vm8 =	vle.f32 v36, v0;
	v44 =	vmpcnt.ones.xlane vm7;
	v2 =	vadd.s32 v40, v2  }
0x22: {  	v47 =	vld [tilespmem:$0xD0];
	vm9 =	vle.f32 v37, v0;
	v46 =	vmpcnt.ones.xlane vm8;
	v2 =	vadd.s32 v42, v2  }
0x23: {  	v49 =	vld [tilespmem:$0xE0];
	vm10 =	vle.f32 v39, v0;
	v48 =	vmpcnt.ones.xlane vm9;
	v2 =	vadd.s32 v44, v2  }
0x24: {  	v51 =	vld [tilespmem:$0xF0];
	vm11 =	vle.f32 v41, v0;
	v50 =	vmpcnt.ones.xlane vm10;
	v2 =	vadd.s32 v46, v2  }
0x25: {  	v53 =	vld [tilespmem:$0x100];
	vm12 =	vle.f32 v43, v0;
	v52 =	vmpcnt.ones.xlane vm11;
	v2 =	vadd.s32 v48, v2  }
0x26: {  	v55 =	vld [tilespmem:$0x110];
	vm13 =	vle.f32 v45, v0;
	v54 =	vmpcnt.ones.xlane vm12;
	v2 =	vadd.s32 v50, v2  }
0x27: {  	v57 =	vld [tilespmem:$0x120];
	vm14 =	vle.f32 v47, v0;
	v56 =	vmpcnt.ones.xlane vm13;
	v2 =	vadd.s32 v52, v2  }
0x28: {  	v59 =	vld [tilespmem:$0x130];
	v58 =	vmpcnt.ones.xlane vm14;
	vm15 =	vle.f32 v49, v0;
	v2 =	vadd.s32 v54, v2  }
0x29: {  	v61 =	vld [tilespmem:$0x140];
	vm4 =	vle.f32 v51, v0;
	v60 =	vmpcnt.ones.xlane vm15;
	v2 =	vadd.s32 v56, v2  }
0x2a: {  	v63 =	vld [tilespmem:$0x150];
	vm5 =	vle.f32 v53, v0;
	v62 =	vmpcnt.ones.xlane vm4;
	v2 =	vadd.s32 v58, v2  }
0x2b: {  	v13 =	vld [tilespmem:$0x160];
	vm6 =	vle.f32 v55, v0;
	v12 =	vmpcnt.ones.xlane vm5;
	v2 =	vadd.s32 v60, v2  }
0x2c: {  	v15 =	vld [tilespmem:$0x170];
	vm7 =	vle.f32 v57, v0;
	v14 =	vmpcnt.ones.xlane vm6;
	v2 =	vadd.s32 v62, v2  }
0x2d: {  	v17 =	vld [tilespmem:$0x180];
	vm8 =	vle.f32 v59, v0;
	v16 =	vmpcnt.ones.xlane vm7;
	v2 =	vadd.s32 v12, v2  }
0x2e: {  	v19 =	vld [tilespmem:$0x190];
	vm9 =	vle.f32 v61, v0;
	v18 =	vmpcnt.ones.xlane vm8;
	v2 =	vadd.s32 v14, v2  }
0x2f: {  	v21 =	vld [tilespmem:$0x1A0];
	vm10 =	vle.f32 v63, v0;
	v20 =	vmpcnt.ones.xlane vm9;
	v2 =	vadd.s32 v16, v2  }
0x30: {  	v23 =	vld [tilespmem:$0x1B0];
	vm11 =	vle.f32 v13, v0;
	v22 =	vmpcnt.ones.xlane vm10;
	v2 =	vadd.s32 v18, v2  }
0x31: {  	v25 =	vld [tilespmem:$0x1C0];
	vm12 =	vle.f32 v15, v0;
	v24 =	vmpcnt.ones.xlane vm11;
	v2 =	vadd.s32 v20, v2  }
0x32: {  	v27 =	vld [tilespmem:$0x1D0];
	vm13 =	vle.f32 v17, v0;
	v26 =	vmpcnt.ones.xlane vm12;
	v2 =	vadd.s32 v22, v2  }
0x33: {  	v29 =	vld [tilespmem:$0x1E0];
	vm14 =	vle.f32 v19, v0;
	v28 =	vmpcnt.ones.xlane vm13;
	v2 =	vadd.s32 v24, v2  }
0x34: {  	v31 =	vld [tilespmem:$0x1F0];
	v30 =	vmpcnt.ones.xlane vm14;
	vm15 =	vle.f32 v21, v0;
	v2 =	vadd.s32 v26, v2  }
0x35: {  	vm4 =	vle.f32 v23, v0;
	v32 =	vmpcnt.ones.xlane vm15;
	v2 =	vadd.s32 v28, v2  }
0x36: {  	vm5 =	vle.f32 v25, v0;
	v3 =	vmpcnt.ones.xlane vm4;
	v2 =	vadd.s32 v30, v2  }
0x37: {  	vm6 =	vle.f32 v27, v0;
	v4 =	vmpcnt.ones.xlane vm5;
	v2 =	vadd.s32 v32, v2  }
0x38: {  	vm7 =	vle.f32 v29, v0;
	v33 =	vmpcnt.ones.xlane vm6;
	v2 =	vadd.s32 v3, v2  }
0x39: {  	vm8 =	vle.f32 v31, v0;
	v34 =	vmpcnt.ones.xlane vm7;
	v2 =	vadd.s32 v4, v2  }
0x3a: {  	v36 =	vmpcnt.ones.xlane vm8;
	v35 =	vadd.s32 v33, v2  }
0x3b: {  	v1 =	vadd.s32 v34, v35  }
0x3c: {  	v1 =	vadd.s32 v36, v1  }
0x3d: {  	vm9 =	vgt.s32 v1, $0x1  }
0x3e: {  	v2 =	vnsel vm9, $0x1, v1  }
0x3f: {  	v2 =	vmin.u32 v2, $0x1FF  }
0x40: {  	v37 =	vadd.s32 $0xFFFFFFFF, v2;
	_ =	sdelay $0x3  }
0x41: {  	v2 =	vld.idx.msk [tilespmem:v2+s1+$0x0], $0xffff  }
0x42: {  	v38 =	vld.idx.msk [tilespmem:v37+s1+$0x0], $0xffff;
	_ =	sdelay $0x1  }
0x43: {  	v10 =	vld [tilespmem:$0x250]  }
0x44: {  	v39 =	vld [tilespmem:$0x200]  }
0x45: {  	v41 =	vld [tilespmem:$0x220]  }
0x46: {  	v43 =	vld [tilespmem:$0x240];
	v2 =	vsub.f32 v2, v38  }
0x47: {  	v47 =	vld [tilespmem:$0x270]  }
0x48: {  	v49 =	vld [tilespmem:$0x280];
	(erf) = vrcp.f32 v2  }
0x49: {  	v51 =	vld [tilespmem:$0x290]  }
0x4a: {  	v53 =	vld [tilespmem:$0x2A0]  }
0x4b: {  	v40 =	vld [tilespmem:$0x210]  }
0x4c: {  	v57 =	vld [tilespmem:$0x2C0]  }
0x4d: {  	vm15 =	vle.f32 v10, v0;
	vm10 =	vle.f32 v39, v0;
	v42 =	vld [tilespmem:$0x230]  }
0x4e: {  	v61 =	vld [tilespmem:$0x2E0];
	vm12 =	vle.f32 v41, v0;
	vm14 =	vle.f32 v43, v0;
	vm5 =	vle.f32 v47, v0  }
0x4f: {  	v45 =	vmpcnt.ones.xlane vm10;
	vm6 =	vle.f32 v49, v0;
	vm7 =	vle.f32 v51, v0  }
0x50: {  	vm8 =	vle.f32 v53, v0;
	v44 =	vld [tilespmem:$0x260];
	vm11 =	vle.f32 v40, v0;
	v4 =	vsub.f32 v0, v38  }
0x51: {  	v59 =	vld [tilespmem:$0x2D0];
	vm10 =	vle.f32 v57, v0;
	v48 =	vmpcnt.ones.xlane vm12;
	v46 =	vmpcnt.ones.xlane vm11;
	v9 =	vpop (erf)  }
0x52: {  	v13 =	vld [tilespmem:$0x300];
	vm13 =	vle.f32 v42, v0;
	v3 =	vcvt.s32.f32 v37;
	v4 =	vmul.f32 v9, v4  }
0x53: {  	v63 =	vld [tilespmem:$0x2F0];
	vm12 =	vle.f32 v61, v0;
	v50 =	vmpcnt.ones.xlane vm13;
	v5 =	vadd.s32 v45, v46  }
0x54: {  	v15 =	vld [tilespmem:$0x310];
	v52 =	vmpcnt.ones.xlane vm14;
	v3 =	vadd.f32 v3, v4;
	v4 =	vadd.s32 v48, v5  }
0x55: {  	v55 =	vld [tilespmem:$0x2B0];
	v54 =	vmpcnt.ones.xlane vm15;
	vm4 =	vle.f32 v44, v0;
	v4 =	vadd.s32 v50, v4  }
0x56: {  	v17 =	vld [tilespmem:$0x320];
	vm11 =	vle.f32 v59, v0;
	v56 =	vmpcnt.ones.xlane vm4;
	v4 =	vadd.s32 v52, v4  }
0x57: {  	v19 =	vld [tilespmem:$0x330];
	vm14 =	vle.f32 v13, v0;
	v58 =	vmpcnt.ones.xlane vm5;
	v4 =	vadd.s32 v54, v4  }
0x58: {  	v21 =	vld [tilespmem:$0x340];
	vm13 =	vle.f32 v63, v0;
	v60 =	vmpcnt.ones.xlane vm6;
	v4 =	vadd.s32 v56, v4  }
0x59: {  	v23 =	vld [tilespmem:$0x350];
	vm15 =	vle.f32 v15, v0;
	v62 =	vmpcnt.ones.xlane vm7;
	v4 =	vadd.s32 v58, v4  }
0x5a: {  	v25 =	vld [tilespmem:$0x360];
	v12 =	vmpcnt.ones.xlane vm8;
	vm9 =	vle.f32 v55, v0;
	v4 =	vadd.s32 v60, v4  }
0x5b: {  	v29 =	vld [tilespmem:$0x380];
	vm4 =	vle.f32 v17, v0;
	v14 =	vmpcnt.ones.xlane vm9;
	v4 =	vadd.s32 v62, v4  }
0x5c: {  	v31 =	vld [tilespmem:$0x390];
	vm5 =	vle.f32 v19, v0;
	v16 =	vmpcnt.ones.xlane vm10;
	v4 =	vadd.s32 v12, v4  }
0x5d: {  	vm6 =	vle.f32 v21, v0;
	v18 =	vmpcnt.ones.xlane vm11;
	v4 =	vadd.s32 v14, v4  }
0x5e: {  	vm7 =	vle.f32 v23, v0;
	v20 =	vmpcnt.ones.xlane vm12;
	v4 =	vadd.s32 v16, v4  }
0x5f: {  	v41 =	vld [tilespmem:$0x3D0];
	vm8 =	vle.f32 v25, v0;
	v22 =	vmpcnt.ones.xlane vm13;
	v4 =	vadd.s32 v18, v4  }
0x60: {  	vm10 =	vle.f32 v29, v0;
	v24 =	vmpcnt.ones.xlane vm14;
	v4 =	vadd.s32 v20, v4  }
0x61: {  	v27 =	vld [tilespmem:$0x370];
	vm11 =	vle.f32 v31, v0;
	v26 =	vmpcnt.ones.xlane vm15;
	v4 =	vadd.s32 v22, v4  }
0x62: {  	v39 =	vmpcnt.ones.xlane vm10;
	v28 =	vmpcnt.ones.xlane vm4;
	v4 =	vadd.s32 v24, v4  }
0x63: {  	v40 =	vmpcnt.ones.xlane vm11;
	v30 =	vmpcnt.ones.xlane vm5;
	v33 =	vld [tilespmem:$0x3A0];
	v4 =	vadd.s32 v26, v4  }
0x64: {  	vm5 =	vle.f32 v41, v0;
	v32 =	vmpcnt.ones.xlane vm6;
	v35 =	vld [tilespmem:$0x3B0];
	v4 =	vadd.s32 v28, v4  }
0x65: {  	v49 =	vmpcnt.ones.xlane vm5;
	v34 =	vmpcnt.ones.xlane vm7;
	v4 =	vadd.s32 v30, v4  }
0x66: {  	v36 =	vmpcnt.ones.xlane vm8;
	vm9 =	vle.f32 v27, v0;
	v37 =	vld [tilespmem:$0x3C0];
	v4 =	vadd.s32 v32, v4  }
0x67: {  	vm15 =	veq.s32 v1, $0x0;
	v38 =	vmpcnt.ones.xlane vm9;
	v4 =	vadd.s32 v34, v4  }
0x68: {  	v43 =	vld [tilespmem:$0x3E0];
	vm4 =	veq.s32 v1, $0x200;
	vm12 =	vle.f32 v33, v0;
	v4 =	vadd.s32 v36, v4  }
0x69: {  	v45 =	vld [tilespmem:$0x3F0];
	v42 =	vmpcnt.ones.xlane vm12;
	vm13 =	vle.f32 v35, v0;
	v4 =	vadd.s32 v38, v4  }
0x6a: {  	v44 =	vmpcnt.ones.xlane vm13;
	v3 =	vsel vm15, $0x0, v3;
	v4 =	vadd.s32 v39, v4  }
0x6b: {  	vm14 =	vle.f32 v37, v0;
	v3 =	vsel vm4, $0x43FF8000, v3;
	v4 =	vadd.s32 v40, v4  }
0x6c: {  	v46 =	vmpcnt.ones.xlane vm14;
	v48 =	vtrunc.f32 v3;
	v4 =	vadd.s32 v42, v4  }
0x6d: {  	vm6 =	vle.f32 v43, v0;
	v2 =	vcvt.f32.s32 v48;
	v47 =	vadd.s32 v44, v4  }
0x6e: {  	vm7 =	vle.f32 v45, v0;
	v50 =	vmpcnt.ones.xlane vm6;
	v1 =	vadd.s32 v46, v47  }
0x6f: {  	v51 =	vmpcnt.ones.xlane vm7;
	v52 =	vcvt.s32.f32 v2;
	v1 =	vadd.s32 v49, v1  }
0x70: {  	v1 =	vadd.s32 v50, v1  }
0x71: {  	v3 =	vsub.f32 v3, v52;
	v1 =	vadd.s32 v51, v1  }
0x72: {  	v53 =	vand.u32 $0x1, v2;
	vm8 =	vgt.s32 v1, $0x1  }
0x73: {  	vm10 =	veq.s32 v53, $0x1;
	vm9 =	veq.f32 v3, $5.000000000e-01;
	v54 =	vnsel vm8, $0x1, v1  }
0x74: {  	vm2 =	vgt.f32 v3, $5.000000000e-01;
	vm0 =	vmand vm9, vm10;
	v55 =	vmin.u32 v54, $0x1FF  }
0x75: {  	v57 =	vimm.s32 $0x0;
	vm0 =	vmor vm2, vm0;
	v56 =	vadd.s32 $0xFFFFFFFF, v55  }
0x76: {  	v58 =	vsel vm0, $0x1, v57  }
0x77: {  	v2 =	vadd.s32 v2, v58  }
0x78: {  	[tilespmem:$0x480] =	vst v2  }
0x79: {  	v4 =	vld.idx.msk [tilespmem:v55+s28+$0x0], $0xffff  }
0x7a: {  	v2 =	vld.idx.msk [tilespmem:v56+s28+$0x0], $0xffff;
	_ =	sdelay $0x4  }
0x7b: {  	v4 =	vsub.f32 v4, v2;
	_ =	sdelay $0x1  }
0x7c: {  	(erf) = vrcp.f32 v4;
	_ =	sdelay $0x7  }
0x7d: {  	v0 =	vsub.f32 v0, v2  }
0x7e: {  	v59 =	vpop (erf)  }
0x7f: {  	v3 =	vcvt.s32.f32 v56;
	v0 =	vmul.f32 v59, v0;
	_ =	sdelay $0x1  }
0x80: {  	v0 =	vadd.f32 v3, v0  }
0x81: {  	vm11 =	veq.s32 v1, $0x0  }
0x82: {  	vm12 =	veq.s32 v1, $0x200;
	v0 =	vsel vm11, $0x0, v0  }
0x83: {  	v0 =	vsel vm12, $0x43FF8000, v0  }
0x84: {  	v60 =	vtrunc.f32 v0  }
0x85: {  	v1 =	vcvt.f32.s32 v60;
	_ =	sdelay $0x1  }
0x86: {  	v61 =	vcvt.s32.f32 v1;
	_ =	sdelay $0x1  }
0x87: {  	v0 =	vsub.f32 v0, v61  }
0x88: {  	v62 =	vand.u32 $0x1, v1  }
0x89: {  	vm14 =	veq.s32 v62, $0x1;
	vm13 =	veq.f32 v0, $5.000000000e-01  }
0x8a: {  	vm15 =	vgt.f32 v0, $5.000000000e-01;
	vm0 =	vmand vm13, vm14  }
0x8b: {  	vm0 =	vmor vm15, vm0  }
0x8c: {  	v63 =	vsel vm0, $0x1, v57  }
0x8d: {  	v0 =	vadd.s32 v1, v63  }
0x8e: {  	s29 =	simm.s32 $0x480;
	[tilespmem:$0x500] =	vst v0  }
0x8f: {  	[hbm4b:s2+s1] =	stream.linear.scatter [tilespmem:s29], [sflag:$0x2], $0x80, $0x38;
	[tilespmem:$0x580] =	vst v63  }
0x90: {  	_ =	swait.ge [sflag:s26], $0x80  }
0x91: {  	[sflag:s26] =	ssyncset.done $0x0  }
0x92: {  	s30 =	sadd.s32 $0x10, s2;
	s31 =	simm.s32 $0x500;
	[sflag:s26] =	ssyncadd.s32 $0xFFFFFF80  }
0x93: {  	[hbm4b:s30+s1] =	stream.linear.scatter [tilespmem:s31], [sflag:$0x2], $0x80, $0x38;
	[tilespmem:$0x580] =	vst v63  }
0x94: {  	_ =	swait.ge [sflag:s26], $0x80  }
0x95: {  	[sflag:s26] =	ssyncset.done $0x0  }
0x96: {  	[sflag:s26] =	ssyncadd.s32 $0xFFFFFF80  }
.LBB2_2:
0x97: {  	_ =	sfence.sel $0x180000  }
0x98: {  	[bflag:$0x0] =	sbarrier.arrive $0xFFFF  }
0x99: {  	_ =	strace $0x90000047  }
0x9a: {  	s0 =	sadd.s32 @!p0 $0x100000, s0;
	[bflag:$0x2] =	sbarrier.arrive $0xFFFF  }
0x9b: {  	[sflag:s0] =	ssyncadd.tile.s32 @!p0 $0x1;
	_ =	shalt  }
.Lfunc_end2:
_tile_overlayer_lowered:
.L_overlay_start_2:
0x9c: {  	(tag) =	ssettag $0x2  }
0x9d: {  	s0 =	rddreg [dreg:$0x0];
	s2 =	stileid.u32  }
0x9e: {  	s1 =	rddreg [dreg:$0x1];
	p0 =	sne.s32 s2, $0x0  }
0x9f: {  	s3 =	rddreg [dreg:$0x2];
	[bflag:$0x3] =	sbarrier.arrive $0xFFFF;
	s2 =	simm.s32 @!p0 $0x1C02  }
0xa0: {  	[timem:s3], [sflag:s2] =	dma.local @!p0 [hbm:s0], s1  }
0xa1: {  	s0 =	simm.s32 @!p0 $0x2  }
0xa2: {  	_ =	swait.ge @!p0 [sflag:s0], s1  }
0xa3: {  	s1 =	ssub.s32 @!p0 $0x0, s1;
	[sflag:s0] =	ssyncset.done @!p0 $0x0  }
0xa4: {  	[sflag:s0] =	ssyncadd.s32 @!p0 s1  }
0xa5: {  	[bflag:$0x3] =	sbarrier.arrive $0xFFFF  }
0xa6: {  	_ =	shalt  }

</sc_bundles>
